<compile_context>
chip_gen: v7x
topology: tpu7x:2x2x1
jax: 0.10.2.dev20260603
libtpu: 0.0.44.dev20260713+nightly
codegen_flags: <defaults>
</compile_context>

<pallas_src>
import functools

import jax
import jax.numpy as jnp
from jax import lax
from jax.experimental import pallas as pl
from jax.experimental.pallas import tpu as pltpu
from jax.experimental.pallas import tpu_sc as plsc

_BATCH = 16384
_HIST = 50
_EMBED = 64
_N = _BATCH * _HIST
_NC = 2
_NS = 16
_NW = _NC * _NS
_PER_W = _N // _NW
_CHUNK = 128
_NCH = _PER_W // _CHUNK
_NBUF = 8
_LOOK = 4
_NGRP = _NCH // _NBUF

_mesh = plsc.VectorSubcoreMesh(core_axis_name="c", subcore_axis_name="s")


@functools.partial(
    pl.kernel,
    mesh=_mesh,
    out_type=jax.ShapeDtypeStruct((_N, _EMBED), jnp.float32),
    scratch_types=[
        pltpu.VMEM((_NCH, _CHUNK), jnp.int32),
        pltpu.VMEM((_NBUF, _CHUNK, _EMBED), jnp.float32),
        pltpu.SemaphoreType.DMA((_NBUF,)),
        pltpu.SemaphoreType.DMA((_NBUF,)),
    ],
    compiler_params=pltpu.CompilerParams(use_tc_tiling_on_sc=False),
)
def _emb_lookup(table_hbm, idx_hbm, out_hbm, idx_v, rows_v, gsem, ssem):
    wid = lax.axis_index("s") * _NC + lax.axis_index("c")
    base = wid * _PER_W

    pltpu.sync_copy(idx_hbm.at[pl.ds(wid * _NCH, _NCH)], idx_v)

    def start_gather(chunk, b):
        pltpu.async_copy(table_hbm.at[idx_v.at[chunk]], rows_v.at[b], gsem.at[b])

    def wait_gather(b):
        pltpu.make_async_copy(
            out_hbm.at[pl.ds(0, _CHUNK)], rows_v.at[b], gsem.at[b]
        ).wait()

    def start_store(chunk, b):
        pltpu.async_copy(
            rows_v.at[b], out_hbm.at[pl.ds(base + chunk * _CHUNK, _CHUNK)], ssem.at[b]
        )

    def wait_store(b):
        pltpu.make_async_copy(
            rows_v.at[b], out_hbm.at[pl.ds(0, _CHUNK)], ssem.at[b]
        ).wait()

    for b in range(_LOOK):
        start_gather(b, b)

    def loop_body(g, carry):
        c0 = g * _NBUF
        for b in range(_NBUF):
            c = c0 + b
            cn = c + _LOOK
            bn = (b + _LOOK) % _NBUF

            @pl.when(cn >= _NBUF)
            def _():
                wait_store(bn)

            @pl.when(cn < _NCH)
            def _():
                start_gather(cn, bn)

            wait_gather(b)
            start_store(c, b)
        return carry

    lax.fori_loop(0, _NGRP, loop_body, 0)

    for i in range(_LOOK):
        wait_store((_LOOK + i) % _NBUF)


def kernel(x, table):
    idx = x.reshape(-1).astype(jnp.int32).reshape(_N // _CHUNK, _CHUNK)
    out = _emb_lookup(table, idx)
    return out.reshape(_BATCH, _HIST, _EMBED)

# --- scband reference (transcript-rebuilt; emitter-appended) ---
"""Pipeline reference for scband-text-encoder-48352741818626 (READ-ONLY COPY).

The authoritative reference and input builder live on the scoring server;
editing this copy changes nothing except your own understanding.
"""

import jax, jax.numpy as jnp
import numpy as np

VOCAB = 1000000
EMBED_DIM = 64
BATCH = 16384
HIST = 50

def setup_inputs(seed: int = 0) -> dict:
    key = jax.random.key(seed)
    k_idx, k_tab = jax.random.split(key)
    x = jax.random.randint(k_idx, (BATCH, HIST), 0, VOCAB, dtype=jnp.int64)
    table = jax.random.normal(k_tab, (VOCAB, EMBED_DIM), dtype=jnp.float32)
    return {"x": x, "table": table}

def reference(x, table):
    # nn.Embedding forward: row gather from the embedding table
    return jnp.take(table, x, axis=0)

if __name__ == "__main__":
    import jax
    _d = setup_inputs()
    print(jax.jit(kernel)(*tuple(_d.values())))

</pallas_src>

<mosaic_0001>
#map = affine_map<(d0, d1) -> (0, 0)>
module attributes {stable_mosaic.version = 14 : i64} {
  func.func @_emb_lookup(%arg0: i32, %arg1: i32, %arg2: memref<1000000x64xf32, #tpu.memory_space<hbm>>, %arg3: memref<6400x128xi32, #tpu.memory_space<hbm>>, %arg4: memref<819200x64xf32, #tpu.memory_space<hbm>>, %arg5: memref<200x128xi32, #tpu.memory_space<vmem>>, %arg6: memref<8x128x64xf32, #tpu.memory_space<vmem>>, %arg7: memref<8x!tpu.dma_semaphore, #tpu.memory_space<semaphore_mem>>, %arg8: memref<8x!tpu.dma_semaphore, #tpu.memory_space<semaphore_mem>>) attributes {dimension_semantics = [#tpu.dimension_semantics<core_parallel>, #tpu.dimension_semantics<subcore_parallel>], iteration_bounds = array<i64: 2, 16>, scalar_prefetch = 0 : i64, scratch_operands = 4 : i64, tpu.core_type = #tpu.core_type<sc_vector_subcore>, window_params = [{transform_indices = #map}, {transform_indices = #map}, {transform_indices = #map}]} {
    %mul3A = arith.constant 2 : i32
    %mul3A_0 = arith.muli %arg1, %mul3A : i32
    %add3A = arith.addi %mul3A_0, %arg0 : i32
    %mul3A_1 = arith.constant 25600 : i32
    %mul3A_2 = arith.muli %add3A, %mul3A_1 : i32
    %mul3A_3 = arith.constant 200 : i32
    %mul3A_4 = arith.muli %add3A, %mul3A_3 : i32
    "tpu.region"() ({
      %run_scoped3A = tpu.sem_alloc : memref<!tpu.dma_semaphore, #tpu.memory_space<semaphore_mem>>
      %dma_start3A_140 = arith.constant 0 : i32
      %dma_start3A_141 = tpu.memref_slice %arg3[%mul3A_4, %dma_start3A_140] : memref<6400x128xi32, #tpu.memory_space<hbm>> -> memref<200x128xi32, #tpu.memory_space<hbm>>
      %dma_start3A_142 = arith.constant 0 : i32
      %dma_start3A_143 = tpu.memref_slice %arg3[%mul3A_4, %dma_start3A_142] : memref<6400x128xi32, #tpu.memory_space<hbm>> -> memref<200x128xi32, #tpu.memory_space<hbm>>
      tpu.enqueue_dma source(%dma_start3A_143 : memref<200x128xi32, #tpu.memory_space<hbm>>) target(%arg5 : memref<200x128xi32, #tpu.memory_space<vmem>>) target_semaphore(%run_scoped3A : memref<!tpu.dma_semaphore, #tpu.memory_space<semaphore_mem>>)
      %dma_wait3A_144 = arith.constant 0 : i32
      %dma_wait3A_145 = tpu.memref_slice %arg3[%mul3A_4, %dma_wait3A_144] : memref<6400x128xi32, #tpu.memory_space<hbm>> -> memref<200x128xi32, #tpu.memory_space<hbm>>
      %dma_wait3A_146 = arith.constant 0 : i32
      %dma_wait3A_147 = tpu.memref_slice %arg3[%mul3A_4, %dma_wait3A_146] : memref<6400x128xi32, #tpu.memory_space<hbm>> -> memref<200x128xi32, #tpu.memory_space<hbm>>
      tpu.wait_dma2 semaphore(%run_scoped3A : memref<!tpu.dma_semaphore, #tpu.memory_space<semaphore_mem>>) src(%dma_wait3A_147 : memref<200x128xi32, #tpu.memory_space<hbm>>) dst(%arg5 : memref<200x128xi32, #tpu.memory_space<vmem>>)
      tpu.yield
    }) : () -> ()
    %dma_start3A = arith.constant 0 : i32
    %dma_start3A_5 = arith.constant 0 : i32
    %dma_start3A_6 = arith.constant 0 : i32
    %dma_start3A_7 = arith.constant 0 : i32
    %dma_start3A_8 = arith.constant 0 : i32
    %dma_start3A_9 = tpu.memref_slice %arg6[%dma_start3A_5, %dma_start3A_7, %dma_start3A_8] : memref<8x128x64xf32, #tpu.memory_space<vmem>> -> memref<1x128x64xf32, #tpu.memory_space<vmem>>
    %dma_start3A_10 = tpu.memref_squeeze %dma_start3A_9 : memref<1x128x64xf32, #tpu.memory_space<vmem>> -> memref<128x64xf32, #tpu.memory_space<vmem>>
    %dma_start3A_11 = arith.constant 0 : i32
    %dma_start3A_12 = tpu.memref_slice %arg5[%dma_start3A, %dma_start3A_11] : memref<200x128xi32, #tpu.memory_space<vmem>> -> memref<1x128xi32, #tpu.memory_space<vmem>>
    %dma_start3A_13 = tpu.memref_squeeze %dma_start3A_12 : memref<1x128xi32, #tpu.memory_space<vmem>> -> memref<128xi32, #tpu.memory_space<vmem>>
    %dma_start3A_14 = arith.constant 0 : i32
    %dma_start3A_15 = arith.constant 0 : i32
    %dma_start3A_16 = tpu.memref_slice %arg2[%dma_start3A_14, %dma_start3A_15] : memref<1000000x64xf32, #tpu.memory_space<hbm>> -> memref<1000000x64xf32, #tpu.memory_space<hbm>>
    %dma_start3A_17 = tpu.memref_slice %arg7[%dma_start3A_6] : memref<8x!tpu.dma_semaphore, #tpu.memory_space<semaphore_mem>> -> memref<1x!tpu.dma_semaphore, #tpu.memory_space<semaphore_mem>>
    %dma_start3A_18 = tpu.memref_squeeze %dma_start3A_17 : memref<1x!tpu.dma_semaphore, #tpu.memory_space<semaphore_mem>> -> memref<!tpu.dma_semaphore, #tpu.memory_space<semaphore_mem>>
    tpu.enqueue_indirect_dma source(%dma_start3A_16 : memref<1000000x64xf32, #tpu.memory_space<hbm>>) target(%dma_start3A_10 : memref<128x64xf32, #tpu.memory_space<vmem>>) offsets(%dma_start3A_13 : memref<128xi32, #tpu.memory_space<vmem>>) semaphore(%dma_start3A_18 : memref<!tpu.dma_semaphore, #tpu.memory_space<semaphore_mem>>)
    %dma_start3A_19 = arith.constant 1 : i32
    %dma_start3A_20 = arith.constant 1 : i32
    %dma_start3A_21 = arith.constant 1 : i32
    %dma_start3A_22 = arith.constant 0 : i32
    %dma_start3A_23 = arith.constant 0 : i32
    %dma_start3A_24 = tpu.memref_slice %arg6[%dma_start3A_20, %dma_start3A_22, %dma_start3A_23] : memref<8x128x64xf32, #tpu.memory_space<vmem>> -> memref<1x128x64xf32, #tpu.memory_space<vmem>>
    %dma_start3A_25 = tpu.memref_squeeze %dma_start3A_24 : memref<1x128x64xf32, #tpu.memory_space<vmem>> -> memref<128x64xf32, #tpu.memory_space<vmem>>
    %dma_start3A_26 = arith.constant 0 : i32
    %dma_start3A_27 = tpu.memref_slice %arg5[%dma_start3A_19, %dma_start3A_26] : memref<200x128xi32, #tpu.memory_space<vmem>> -> memref<1x128xi32, #tpu.memory_space<vmem>>
    %dma_start3A_28 = tpu.memref_squeeze %dma_start3A_27 : memref<1x128xi32, #tpu.memory_space<vmem>> -> memref<128xi32, #tpu.memory_space<vmem>>
    %dma_start3A_29 = arith.constant 0 : i32
    %dma_start3A_30 = arith.constant 0 : i32
    %dma_start3A_31 = tpu.memref_slice %arg2[%dma_start3A_29, %dma_start3A_30] : memref<1000000x64xf32, #tpu.memory_space<hbm>> -> memref<1000000x64xf32, #tpu.memory_space<hbm>>
    %dma_start3A_32 = tpu.memref_slice %arg7[%dma_start3A_21] : memref<8x!tpu.dma_semaphore, #tpu.memory_space<semaphore_mem>> -> memref<1x!tpu.dma_semaphore, #tpu.memory_space<semaphore_mem>>
    %dma_start3A_33 = tpu.memref_squeeze %dma_start3A_32 : memref<1x!tpu.dma_semaphore, #tpu.memory_space<semaphore_mem>> -> memref<!tpu.dma_semaphore, #tpu.memory_space<semaphore_mem>>
    tpu.enqueue_indirect_dma source(%dma_start3A_31 : memref<1000000x64xf32, #tpu.memory_space<hbm>>) target(%dma_start3A_25 : memref<128x64xf32, #tpu.memory_space<vmem>>) offsets(%dma_start3A_28 : memref<128xi32, #tpu.memory_space<vmem>>) semaphore(%dma_start3A_33 : memref<!tpu.dma_semaphore, #tpu.memory_space<semaphore_mem>>)
    %dma_start3A_34 = arith.constant 2 : i32
    %dma_start3A_35 = arith.constant 2 : i32
    %dma_start3A_36 = arith.constant 2 : i32
    %dma_start3A_37 = arith.constant 0 : i32
    %dma_start3A_38 = arith.constant 0 : i32
    %dma_start3A_39 = tpu.memref_slice %arg6[%dma_start3A_35, %dma_start3A_37, %dma_start3A_38] : memref<8x128x64xf32, #tpu.memory_space<vmem>> -> memref<1x128x64xf32, #tpu.memory_space<vmem>>
    %dma_start3A_40 = tpu.memref_squeeze %dma_start3A_39 : memref<1x128x64xf32, #tpu.memory_space<vmem>> -> memref<128x64xf32, #tpu.memory_space<vmem>>
    %dma_start3A_41 = arith.constant 0 : i32
    %dma_start3A_42 = tpu.memref_slice %arg5[%dma_start3A_34, %dma_start3A_41] : memref<200x128xi32, #tpu.memory_space<vmem>> -> memref<1x128xi32, #tpu.memory_space<vmem>>
    %dma_start3A_43 = tpu.memref_squeeze %dma_start3A_42 : memref<1x128xi32, #tpu.memory_space<vmem>> -> memref<128xi32, #tpu.memory_space<vmem>>
    %dma_start3A_44 = arith.constant 0 : i32
    %dma_start3A_45 = arith.constant 0 : i32
    %dma_start3A_46 = tpu.memref_slice %arg2[%dma_start3A_44, %dma_start3A_45] : memref<1000000x64xf32, #tpu.memory_space<hbm>> -> memref<1000000x64xf32, #tpu.memory_space<hbm>>
    %dma_start3A_47 = tpu.memref_slice %arg7[%dma_start3A_36] : memref<8x!tpu.dma_semaphore, #tpu.memory_space<semaphore_mem>> -> memref<1x!tpu.dma_semaphore, #tpu.memory_space<semaphore_mem>>
    %dma_start3A_48 = tpu.memref_squeeze %dma_start3A_47 : memref<1x!tpu.dma_semaphore, #tpu.memory_space<semaphore_mem>> -> memref<!tpu.dma_semaphore, #tpu.memory_space<semaphore_mem>>
    tpu.enqueue_indirect_dma source(%dma_start3A_46 : memref<1000000x64xf32, #tpu.memory_space<hbm>>) target(%dma_start3A_40 : memref<128x64xf32, #tpu.memory_space<vmem>>) offsets(%dma_start3A_43 : memref<128xi32, #tpu.memory_space<vmem>>) semaphore(%dma_start3A_48 : memref<!tpu.dma_semaphore, #tpu.memory_space<semaphore_mem>>)
    %dma_start3A_49 = arith.constant 3 : i32
    %dma_start3A_50 = arith.constant 3 : i32
    %dma_start3A_51 = arith.constant 3 : i32
    %dma_start3A_52 = arith.constant 0 : i32
    %dma_start3A_53 = arith.constant 0 : i32
    %dma_start3A_54 = tpu.memref_slice %arg6[%dma_start3A_50, %dma_start3A_52, %dma_start3A_53] : memref<8x128x64xf32, #tpu.memory_space<vmem>> -> memref<1x128x64xf32, #tpu.memory_space<vmem>>
    %dma_start3A_55 = tpu.memref_squeeze %dma_start3A_54 : memref<1x128x64xf32, #tpu.memory_space<vmem>> -> memref<128x64xf32, #tpu.memory_space<vmem>>
    %dma_start3A_56 = arith.constant 0 : i32
    %dma_start3A_57 = tpu.memref_slice %arg5[%dma_start3A_49, %dma_start3A_56] : memref<200x128xi32, #tpu.memory_space<vmem>> -> memref<1x128xi32, #tpu.memory_space<vmem>>
    %dma_start3A_58 = tpu.memref_squeeze %dma_start3A_57 : memref<1x128xi32, #tpu.memory_space<vmem>> -> memref<128xi32, #tpu.memory_space<vmem>>
    %dma_start3A_59 = arith.constant 0 : i32
    %dma_start3A_60 = arith.constant 0 : i32
    %dma_start3A_61 = tpu.memref_slice %arg2[%dma_start3A_59, %dma_start3A_60] : memref<1000000x64xf32, #tpu.memory_space<hbm>> -> memref<1000000x64xf32, #tpu.memory_space<hbm>>
    %dma_start3A_62 = tpu.memref_slice %arg7[%dma_start3A_51] : memref<8x!tpu.dma_semaphore, #tpu.memory_space<semaphore_mem>> -> memref<1x!tpu.dma_semaphore, #tpu.memory_space<semaphore_mem>>
    %dma_start3A_63 = tpu.memref_squeeze %dma_start3A_62 : memref<1x!tpu.dma_semaphore, #tpu.memory_space<semaphore_mem>> -> memref<!tpu.dma_semaphore, #tpu.memory_space<semaphore_mem>>
    tpu.enqueue_indirect_dma source(%dma_start3A_61 : memref<1000000x64xf32, #tpu.memory_space<hbm>>) target(%dma_start3A_55 : memref<128x64xf32, #tpu.memory_space<vmem>>) offsets(%dma_start3A_58 : memref<128xi32, #tpu.memory_space<vmem>>) semaphore(%dma_start3A_63 : memref<!tpu.dma_semaphore, #tpu.memory_space<semaphore_mem>>)
    %scan3A = arith.constant 0 : i32
    %scan3A_64 = arith.constant 0 : i32
    %scan3A_65 = arith.constant 25 : i32
    %scan3A_66 = arith.addi %scan3A_64, %scan3A_65 : i32
    %scan3A_67 = arith.constant 1 : i32
    scf.for %scan3A_140 = %scan3A_64 to %scan3A_66 step %scan3A_67  : i32 {
      %mul3A_141 = arith.constant 8 : i32
      %mul3A_142 = arith.muli %scan3A_140, %mul3A_141 : i32
      %add3A_143 = arith.constant 0 : i32
      %add3A_144 = arith.addi %mul3A_142, %add3A_143 : i32
      %add3A_145 = arith.constant 4 : i32
      %add3A_146 = arith.addi %add3A_144, %add3A_145 : i32
      %ge3A = arith.constant 8 : i32
      %ge3A_147 = arith.cmpi sge, %add3A_146, %ge3A : i32
      %convert_element_type3A = arith.extui %ge3A_147 : i1 to i32
      %cond3A = arith.constant 0 : i32
      %cond3A_148 = arith.cmpi ne, %convert_element_type3A, %cond3A : i32
      scf.if %cond3A_148 {
        %dma_wait3A_547 = arith.constant 4 : i32
        %dma_wait3A_548 = arith.constant 4 : i32
        %dma_wait3A_549 = arith.constant 0 : i32
        %dma_wait3A_550 = arith.constant 0 : i32
        %dma_wait3A_551 = tpu.memref_slice %arg6[%dma_wait3A_547, %dma_wait3A_549, %dma_wait3A_550] : memref<8x128x64xf32, #tpu.memory_space<vmem>> -> memref<1x128x64xf32, #tpu.memory_space<vmem>>
        %dma_wait3A_552 = tpu.memref_squeeze %dma_wait3A_551 : memref<1x128x64xf32, #tpu.memory_space<vmem>> -> memref<128x64xf32, #tpu.memory_space<vmem>>
        %dma_wait3A_553 = arith.constant 0 : i32
        %dma_wait3A_554 = arith.constant 0 : i32
        %dma_wait3A_555 = tpu.memref_slice %arg4[%dma_wait3A_553, %dma_wait3A_554] : memref<819200x64xf32, #tpu.memory_space<hbm>> -> memref<128x64xf32, #tpu.memory_space<hbm>>
        %dma_wait3A_556 = tpu.memref_slice %arg8[%dma_wait3A_548] : memref<8x!tpu.dma_semaphore, #tpu.memory_space<semaphore_mem>> -> memref<1x!tpu.dma_semaphore, #tpu.memory_space<semaphore_mem>>
        %dma_wait3A_557 = tpu.memref_squeeze %dma_wait3A_556 : memref<1x!tpu.dma_semaphore, #tpu.memory_space<semaphore_mem>> -> memref<!tpu.dma_semaphore, #tpu.memory_space<semaphore_mem>>
        %dma_wait3A_558 = arith.constant 0 : i32
        %dma_wait3A_559 = arith.constant 0 : i32
        %dma_wait3A_560 = tpu.memref_slice %arg4[%dma_wait3A_558, %dma_wait3A_559] : memref<819200x64xf32, #tpu.memory_space<hbm>> -> memref<128x64xf32, #tpu.memory_space<hbm>>
        %dma_wait3A_561 = arith.constant 0 : i32
        %dma_wait3A_562 = arith.constant 0 : i32
        %dma_wait3A_563 = tpu.memref_slice %arg6[%dma_wait3A_547, %dma_wait3A_561, %dma_wait3A_562] : memref<8x128x64xf32, #tpu.memory_space<vmem>> -> memref<1x128x64xf32, #tpu.memory_space<vmem>>
        %dma_wait3A_564 = tpu.memref_squeeze %dma_wait3A_563 : memref<1x128x64xf32, #tpu.memory_space<vmem>> -> memref<128x64xf32, #tpu.memory_space<vmem>>
        tpu.wait_dma2 semaphore(%dma_wait3A_557 : memref<!tpu.dma_semaphore, #tpu.memory_space<semaphore_mem>>) src(%dma_wait3A_564 : memref<128x64xf32, #tpu.memory_space<vmem>>) dst(%dma_wait3A_560 : memref<128x64xf32, #tpu.memory_space<hbm>>)
      } else {
      }
      %lt3A = arith.constant 200 : i32
      %lt3A_149 = arith.cmpi slt, %add3A_146, %lt3A : i32
      %convert_element_type3A_150 = arith.extui %lt3A_149 : i1 to i32
      %cond3A_151 = arith.constant 0 : i32
      %cond3A_152 = arith.cmpi ne, %convert_element_type3A_150, %cond3A_151 : i32
      scf.if %cond3A_152 {
        %dma_start3A_547 = arith.constant 4 : i32
        %dma_start3A_548 = arith.constant 4 : i32
        %dma_start3A_549 = arith.constant 0 : i32
        %dma_start3A_550 = arith.constant 0 : i32
        %dma_start3A_551 = tpu.memref_slice %arg6[%dma_start3A_547, %dma_start3A_549, %dma_start3A_550] : memref<8x128x64xf32, #tpu.memory_space<vmem>> -> memref<1x128x64xf32, #tpu.memory_space<vmem>>
        %dma_start3A_552 = tpu.memref_squeeze %dma_start3A_551 : memref<1x128x64xf32, #tpu.memory_space<vmem>> -> memref<128x64xf32, #tpu.memory_space<vmem>>
        %dma_start3A_553 = arith.constant 0 : i32
        %dma_start3A_554 = tpu.memref_slice %arg5[%add3A_146, %dma_start3A_553] : memref<200x128xi32, #tpu.memory_space<vmem>> -> memref<1x128xi32, #tpu.memory_space<vmem>>
        %dma_start3A_555 = tpu.memref_squeeze %dma_start3A_554 : memref<1x128xi32, #tpu.memory_space<vmem>> -> memref<128xi32, #tpu.memory_space<vmem>>
        %dma_start3A_556 = arith.constant 0 : i32
        %dma_start3A_557 = arith.constant 0 : i32
        %dma_start3A_558 = tpu.memref_slice %arg2[%dma_start3A_556, %dma_start3A_557] : memref<1000000x64xf32, #tpu.memory_space<hbm>> -> memref<1000000x64xf32, #tpu.memory_space<hbm>>
        %dma_start3A_559 = tpu.memref_slice %arg7[%dma_start3A_548] : memref<8x!tpu.dma_semaphore, #tpu.memory_space<semaphore_mem>> -> memref<1x!tpu.dma_semaphore, #tpu.memory_space<semaphore_mem>>
        %dma_start3A_560 = tpu.memref_squeeze %dma_start3A_559 : memref<1x!tpu.dma_semaphore, #tpu.memory_space<semaphore_mem>> -> memref<!tpu.dma_semaphore, #tpu.memory_space<semaphore_mem>>
        tpu.enqueue_indirect_dma source(%dma_start3A_558 : memref<1000000x64xf32, #tpu.memory_space<hbm>>) target(%dma_start3A_552 : memref<128x64xf32, #tpu.memory_space<vmem>>) offsets(%dma_start3A_555 : memref<128xi32, #tpu.memory_space<vmem>>) semaphore(%dma_start3A_560 : memref<!tpu.dma_semaphore, #tpu.memory_space<semaphore_mem>>)
      } else {
      }
      %dma_wait3A_153 = arith.constant 0 : i32
      %dma_wait3A_154 = arith.constant 0 : i32
      %dma_wait3A_155 = arith.constant 0 : i32
      %dma_wait3A_156 = arith.constant 0 : i32
      %dma_wait3A_157 = tpu.memref_slice %arg6[%dma_wait3A_153, %dma_wait3A_155, %dma_wait3A_156] : memref<8x128x64xf32, #tpu.memory_space<vmem>> -> memref<1x128x64xf32, #tpu.memory_space<vmem>>
      %dma_wait3A_158 = tpu.memref_squeeze %dma_wait3A_157 : memref<1x128x64xf32, #tpu.memory_space<vmem>> -> memref<128x64xf32, #tpu.memory_space<vmem>>
      %dma_wait3A_159 = arith.constant 0 : i32
      %dma_wait3A_160 = arith.constant 0 : i32
      %dma_wait3A_161 = tpu.memref_slice %arg4[%dma_wait3A_159, %dma_wait3A_160] : memref<819200x64xf32, #tpu.memory_space<hbm>> -> memref<128x64xf32, #tpu.memory_space<hbm>>
      %dma_wait3A_162 = tpu.memref_slice %arg7[%dma_wait3A_154] : memref<8x!tpu.dma_semaphore, #tpu.memory_space<semaphore_mem>> -> memref<1x!tpu.dma_semaphore, #tpu.memory_space<semaphore_mem>>
      %dma_wait3A_163 = tpu.memref_squeeze %dma_wait3A_162 : memref<1x!tpu.dma_semaphore, #tpu.memory_space<semaphore_mem>> -> memref<!tpu.dma_semaphore, #tpu.memory_space<semaphore_mem>>
      %dma_wait3A_164 = arith.constant 0 : i32
      %dma_wait3A_165 = arith.constant 0 : i32
      %dma_wait3A_166 = tpu.memref_slice %arg6[%dma_wait3A_153, %dma_wait3A_164, %dma_wait3A_165] : memref<8x128x64xf32, #tpu.memory_space<vmem>> -> memref<1x128x64xf32, #tpu.memory_space<vmem>>
      %dma_wait3A_167 = tpu.memref_squeeze %dma_wait3A_166 : memref<1x128x64xf32, #tpu.memory_space<vmem>> -> memref<128x64xf32, #tpu.memory_space<vmem>>
      %dma_wait3A_168 = arith.constant 0 : i32
      %dma_wait3A_169 = arith.constant 0 : i32
      %dma_wait3A_170 = tpu.memref_slice %arg4[%dma_wait3A_168, %dma_wait3A_169] : memref<819200x64xf32, #tpu.memory_space<hbm>> -> memref<128x64xf32, #tpu.memory_space<hbm>>
      tpu.wait_dma2 semaphore(%dma_wait3A_163 : memref<!tpu.dma_semaphore, #tpu.memory_space<semaphore_mem>>) src(%dma_wait3A_170 : memref<128x64xf32, #tpu.memory_space<hbm>>) dst(%dma_wait3A_167 : memref<128x64xf32, #tpu.memory_space<vmem>>)
      %mul3A_171 = arith.constant 128 : i32
      %mul3A_172 = arith.muli %add3A_144, %mul3A_171 : i32
      %add3A_173 = arith.addi %mul3A_2, %mul3A_172 : i32
      %dma_start3A_174 = arith.constant 0 : i32
      %dma_start3A_175 = arith.constant 0 : i32
      %dma_start3A_176 = arith.constant 0 : i32
      %dma_start3A_177 = arith.constant 0 : i32
      %dma_start3A_178 = tpu.memref_slice %arg6[%dma_start3A_174, %dma_start3A_176, %dma_start3A_177] : memref<8x128x64xf32, #tpu.memory_space<vmem>> -> memref<1x128x64xf32, #tpu.memory_space<vmem>>
      %dma_start3A_179 = tpu.memref_squeeze %dma_start3A_178 : memref<1x128x64xf32, #tpu.memory_space<vmem>> -> memref<128x64xf32, #tpu.memory_space<vmem>>
      %dma_start3A_180 = arith.constant 0 : i32
      %dma_start3A_181 = tpu.memref_slice %arg4[%add3A_173, %dma_start3A_180] : memref<819200x64xf32, #tpu.memory_space<hbm>> -> memref<128x64xf32, #tpu.memory_space<hbm>>
      %dma_start3A_182 = tpu.memref_slice %arg8[%dma_start3A_175] : memref<8x!tpu.dma_semaphore, #tpu.memory_space<semaphore_mem>> -> memref<1x!tpu.dma_semaphore, #tpu.memory_space<semaphore_mem>>
      %dma_start3A_183 = tpu.memref_squeeze %dma_start3A_182 : memref<1x!tpu.dma_semaphore, #tpu.memory_space<semaphore_mem>> -> memref<!tpu.dma_semaphore, #tpu.memory_space<semaphore_mem>>
      %dma_start3A_184 = arith.constant 0 : i32
      %dma_start3A_185 = tpu.memref_slice %arg4[%add3A_173, %dma_start3A_184] : memref<819200x64xf32, #tpu.memory_space<hbm>> -> memref<128x64xf32, #tpu.memory_space<hbm>>
      %dma_start3A_186 = arith.constant 0 : i32
      %dma_start3A_187 = arith.constant 0 : i32
      %dma_start3A_188 = tpu.memref_slice %arg6[%dma_start3A_174, %dma_start3A_186, %dma_start3A_187] : memref<8x128x64xf32, #tpu.memory_space<vmem>> -> memref<1x128x64xf32, #tpu.memory_space<vmem>>
      %dma_start3A_189 = tpu.memref_squeeze %dma_start3A_188 : memref<1x128x64xf32, #tpu.memory_space<vmem>> -> memref<128x64xf32, #tpu.memory_space<vmem>>
      tpu.enqueue_dma source(%dma_start3A_189 : memref<128x64xf32, #tpu.memory_space<vmem>>) target(%dma_start3A_185 : memref<128x64xf32, #tpu.memory_space<hbm>>) target_semaphore(%dma_start3A_183 : memref<!tpu.dma_semaphore, #tpu.memory_space<semaphore_mem>>)
      %add3A_190 = arith.constant 1 : i32
      %add3A_191 = arith.addi %mul3A_142, %add3A_190 : i32
      %add3A_192 = arith.constant 4 : i32
      %add3A_193 = arith.addi %add3A_191, %add3A_192 : i32
      %ge3A_194 = arith.constant 8 : i32
      %ge3A_195 = arith.cmpi sge, %add3A_193, %ge3A_194 : i32
      %convert_element_type3A_196 = arith.extui %ge3A_195 : i1 to i32
      %cond3A_197 = arith.constant 0 : i32
      %cond3A_198 = arith.cmpi ne, %convert_element_type3A_196, %cond3A_197 : i32
      scf.if %cond3A_198 {
        %dma_wait3A_547 = arith.constant 5 : i32
        %dma_wait3A_548 = arith.constant 5 : i32
        %dma_wait3A_549 = arith.constant 0 : i32
        %dma_wait3A_550 = arith.constant 0 : i32
        %dma_wait3A_551 = tpu.memref_slice %arg6[%dma_wait3A_547, %dma_wait3A_549, %dma_wait3A_550] : memref<8x128x64xf32, #tpu.memory_space<vmem>> -> memref<1x128x64xf32, #tpu.memory_space<vmem>>
        %dma_wait3A_552 = tpu.memref_squeeze %dma_wait3A_551 : memref<1x128x64xf32, #tpu.memory_space<vmem>> -> memref<128x64xf32, #tpu.memory_space<vmem>>
        %dma_wait3A_553 = arith.constant 0 : i32
        %dma_wait3A_554 = arith.constant 0 : i32
        %dma_wait3A_555 = tpu.memref_slice %arg4[%dma_wait3A_553, %dma_wait3A_554] : memref<819200x64xf32, #tpu.memory_space<hbm>> -> memref<128x64xf32, #tpu.memory_space<hbm>>
        %dma_wait3A_556 = tpu.memref_slice %arg8[%dma_wait3A_548] : memref<8x!tpu.dma_semaphore, #tpu.memory_space<semaphore_mem>> -> memref<1x!tpu.dma_semaphore, #tpu.memory_space<semaphore_mem>>
        %dma_wait3A_557 = tpu.memref_squeeze %dma_wait3A_556 : memref<1x!tpu.dma_semaphore, #tpu.memory_space<semaphore_mem>> -> memref<!tpu.dma_semaphore, #tpu.memory_space<semaphore_mem>>
        %dma_wait3A_558 = arith.constant 0 : i32
        %dma_wait3A_559 = arith.constant 0 : i32
        %dma_wait3A_560 = tpu.memref_slice %arg4[%dma_wait3A_558, %dma_wait3A_559] : memref<819200x64xf32, #tpu.memory_space<hbm>> -> memref<128x64xf32, #tpu.memory_space<hbm>>
        %dma_wait3A_561 = arith.constant 0 : i32
        %dma_wait3A_562 = arith.constant 0 : i32
        %dma_wait3A_563 = tpu.memref_slice %arg6[%dma_wait3A_547, %dma_wait3A_561, %dma_wait3A_562] : memref<8x128x64xf32, #tpu.memory_space<vmem>> -> memref<1x128x64xf32, #tpu.memory_space<vmem>>
        %dma_wait3A_564 = tpu.memref_squeeze %dma_wait3A_563 : memref<1x128x64xf32, #tpu.memory_space<vmem>> -> memref<128x64xf32, #tpu.memory_space<vmem>>
        tpu.wait_dma2 semaphore(%dma_wait3A_557 : memref<!tpu.dma_semaphore, #tpu.memory_space<semaphore_mem>>) src(%dma_wait3A_564 : memref<128x64xf32, #tpu.memory_space<vmem>>) dst(%dma_wait3A_560 : memref<128x64xf32, #tpu.memory_space<hbm>>)
      } else {
      }
      %lt3A_199 = arith.constant 200 : i32
      %lt3A_200 = arith.cmpi slt, %add3A_193, %lt3A_199 : i32
      %convert_element_type3A_201 = arith.extui %lt3A_200 : i1 to i32
      %cond3A_202 = arith.constant 0 : i32
      %cond3A_203 = arith.cmpi ne, %convert_element_type3A_201, %cond3A_202 : i32
      scf.if %cond3A_203 {
        %dma_start3A_547 = arith.constant 5 : i32
        %dma_start3A_548 = arith.constant 5 : i32
        %dma_start3A_549 = arith.constant 0 : i32
        %dma_start3A_550 = arith.constant 0 : i32
        %dma_start3A_551 = tpu.memref_slice %arg6[%dma_start3A_547, %dma_start3A_549, %dma_start3A_550] : memref<8x128x64xf32, #tpu.memory_space<vmem>> -> memref<1x128x64xf32, #tpu.memory_space<vmem>>
        %dma_start3A_552 = tpu.memref_squeeze %dma_start3A_551 : memref<1x128x64xf32, #tpu.memory_space<vmem>> -> memref<128x64xf32, #tpu.memory_space<vmem>>
        %dma_start3A_553 = arith.constant 0 : i32
        %dma_start3A_554 = tpu.memref_slice %arg5[%add3A_193, %dma_start3A_553] : memref<200x128xi32, #tpu.memory_space<vmem>> -> memref<1x128xi32, #tpu.memory_space<vmem>>
        %dma_start3A_555 = tpu.memref_squeeze %dma_start3A_554 : memref<1x128xi32, #tpu.memory_space<vmem>> -> memref<128xi32, #tpu.memory_space<vmem>>
        %dma_start3A_556 = arith.constant 0 : i32
        %dma_start3A_557 = arith.constant 0 : i32
        %dma_start3A_558 = tpu.memref_slice %arg2[%dma_start3A_556, %dma_start3A_557] : memref<1000000x64xf32, #tpu.memory_space<hbm>> -> memref<1000000x64xf32, #tpu.memory_space<hbm>>
        %dma_start3A_559 = tpu.memref_slice %arg7[%dma_start3A_548] : memref<8x!tpu.dma_semaphore, #tpu.memory_space<semaphore_mem>> -> memref<1x!tpu.dma_semaphore, #tpu.memory_space<semaphore_mem>>
        %dma_start3A_560 = tpu.memref_squeeze %dma_start3A_559 : memref<1x!tpu.dma_semaphore, #tpu.memory_space<semaphore_mem>> -> memref<!tpu.dma_semaphore, #tpu.memory_space<semaphore_mem>>
        tpu.enqueue_indirect_dma source(%dma_start3A_558 : memref<1000000x64xf32, #tpu.memory_space<hbm>>) target(%dma_start3A_552 : memref<128x64xf32, #tpu.memory_space<vmem>>) offsets(%dma_start3A_555 : memref<128xi32, #tpu.memory_space<vmem>>) semaphore(%dma_start3A_560 : memref<!tpu.dma_semaphore, #tpu.memory_space<semaphore_mem>>)
      } else {
      }
      %dma_wait3A_204 = arith.constant 1 : i32
      %dma_wait3A_205 = arith.constant 1 : i32
      %dma_wait3A_206 = arith.constant 0 : i32
      %dma_wait3A_207 = arith.constant 0 : i32
      %dma_wait3A_208 = tpu.memref_slice %arg6[%dma_wait3A_204, %dma_wait3A_206, %dma_wait3A_207] : memref<8x128x64xf32, #tpu.memory_space<vmem>> -> memref<1x128x64xf32, #tpu.memory_space<vmem>>
      %dma_wait3A_209 = tpu.memref_squeeze %dma_wait3A_208 : memref<1x128x64xf32, #tpu.memory_space<vmem>> -> memref<128x64xf32, #tpu.memory_space<vmem>>
      %dma_wait3A_210 = arith.constant 0 : i32
      %dma_wait3A_211 = arith.constant 0 : i32
      %dma_wait3A_212 = tpu.memref_slice %arg4[%dma_wait3A_210, %dma_wait3A_211] : memref<819200x64xf32, #tpu.memory_space<hbm>> -> memref<128x64xf32, #tpu.memory_space<hbm>>
      %dma_wait3A_213 = tpu.memref_slice %arg7[%dma_wait3A_205] : memref<8x!tpu.dma_semaphore, #tpu.memory_space<semaphore_mem>> -> memref<1x!tpu.dma_semaphore, #tpu.memory_space<semaphore_mem>>
      %dma_wait3A_214 = tpu.memref_squeeze %dma_wait3A_213 : memref<1x!tpu.dma_semaphore, #tpu.memory_space<semaphore_mem>> -> memref<!tpu.dma_semaphore, #tpu.memory_space<semaphore_mem>>
      %dma_wait3A_215 = arith.constant 0 : i32
      %dma_wait3A_216 = arith.constant 0 : i32
      %dma_wait3A_217 = tpu.memref_slice %arg6[%dma_wait3A_204, %dma_wait3A_215, %dma_wait3A_216] : memref<8x128x64xf32, #tpu.memory_space<vmem>> -> memref<1x128x64xf32, #tpu.memory_space<vmem>>
      %dma_wait3A_218 = tpu.memref_squeeze %dma_wait3A_217 : memref<1x128x64xf32, #tpu.memory_space<vmem>> -> memref<128x64xf32, #tpu.memory_space<vmem>>
      %dma_wait3A_219 = arith.constant 0 : i32
      %dma_wait3A_220 = arith.constant 0 : i32
      %dma_wait3A_221 = tpu.memref_slice %arg4[%dma_wait3A_219, %dma_wait3A_220] : memref<819200x64xf32, #tpu.memory_space<hbm>> -> memref<128x64xf32, #tpu.memory_space<hbm>>
      tpu.wait_dma2 semaphore(%dma_wait3A_214 : memref<!tpu.dma_semaphore, #tpu.memory_space<semaphore_mem>>) src(%dma_wait3A_221 : memref<128x64xf32, #tpu.memory_space<hbm>>) dst(%dma_wait3A_218 : memref<128x64xf32, #tpu.memory_space<vmem>>)
      %mul3A_222 = arith.constant 128 : i32
      %mul3A_223 = arith.muli %add3A_191, %mul3A_222 : i32
      %add3A_224 = arith.addi %mul3A_2, %mul3A_223 : i32
      %dma_start3A_225 = arith.constant 1 : i32
      %dma_start3A_226 = arith.constant 1 : i32
      %dma_start3A_227 = arith.constant 0 : i32
      %dma_start3A_228 = arith.constant 0 : i32
      %dma_start3A_229 = tpu.memref_slice %arg6[%dma_start3A_225, %dma_start3A_227, %dma_start3A_228] : memref<8x128x64xf32, #tpu.memory_space<vmem>> -> memref<1x128x64xf32, #tpu.memory_space<vmem>>
      %dma_start3A_230 = tpu.memref_squeeze %dma_start3A_229 : memref<1x128x64xf32, #tpu.memory_space<vmem>> -> memref<128x64xf32, #tpu.memory_space<vmem>>
      %dma_start3A_231 = arith.constant 0 : i32
      %dma_start3A_232 = tpu.memref_slice %arg4[%add3A_224, %dma_start3A_231] : memref<819200x64xf32, #tpu.memory_space<hbm>> -> memref<128x64xf32, #tpu.memory_space<hbm>>
      %dma_start3A_233 = tpu.memref_slice %arg8[%dma_start3A_226] : memref<8x!tpu.dma_semaphore, #tpu.memory_space<semaphore_mem>> -> memref<1x!tpu.dma_semaphore, #tpu.memory_space<semaphore_mem>>
      %dma_start3A_234 = tpu.memref_squeeze %dma_start3A_233 : memref<1x!tpu.dma_semaphore, #tpu.memory_space<semaphore_mem>> -> memref<!tpu.dma_semaphore, #tpu.memory_space<semaphore_mem>>
      %dma_start3A_235 = arith.constant 0 : i32
      %dma_start3A_236 = tpu.memref_slice %arg4[%add3A_224, %dma_start3A_235] : memref<819200x64xf32, #tpu.memory_space<hbm>> -> memref<128x64xf32, #tpu.memory_space<hbm>>
      %dma_start3A_237 = arith.constant 0 : i32
      %dma_start3A_238 = arith.constant 0 : i32
      %dma_start3A_239 = tpu.memref_slice %arg6[%dma_start3A_225, %dma_start3A_237, %dma_start3A_238] : memref<8x128x64xf32, #tpu.memory_space<vmem>> -> memref<1x128x64xf32, #tpu.memory_space<vmem>>
      %dma_start3A_240 = tpu.memref_squeeze %dma_start3A_239 : memref<1x128x64xf32, #tpu.memory_space<vmem>> -> memref<128x64xf32, #tpu.memory_space<vmem>>
      tpu.enqueue_dma source(%dma_start3A_240 : memref<128x64xf32, #tpu.memory_space<vmem>>) target(%dma_start3A_236 : memref<128x64xf32, #tpu.memory_space<hbm>>) target_semaphore(%dma_start3A_234 : memref<!tpu.dma_semaphore, #tpu.memory_space<semaphore_mem>>)
      %add3A_241 = arith.constant 2 : i32
      %add3A_242 = arith.addi %mul3A_142, %add3A_241 : i32
      %add3A_243 = arith.constant 4 : i32
      %add3A_244 = arith.addi %add3A_242, %add3A_243 : i32
      %ge3A_245 = arith.constant 8 : i32
      %ge3A_246 = arith.cmpi sge, %add3A_244, %ge3A_245 : i32
      %convert_element_type3A_247 = arith.extui %ge3A_246 : i1 to i32
      %cond3A_248 = arith.constant 0 : i32
      %cond3A_249 = arith.cmpi ne, %convert_element_type3A_247, %cond3A_248 : i32
      scf.if %cond3A_249 {
        %dma_wait3A_547 = arith.constant 6 : i32
        %dma_wait3A_548 = arith.constant 6 : i32
        %dma_wait3A_549 = arith.constant 0 : i32
        %dma_wait3A_550 = arith.constant 0 : i32
        %dma_wait3A_551 = tpu.memref_slice %arg6[%dma_wait3A_547, %dma_wait3A_549, %dma_wait3A_550] : memref<8x128x64xf32, #tpu.memory_space<vmem>> -> memref<1x128x64xf32, #tpu.memory_space<vmem>>
        %dma_wait3A_552 = tpu.memref_squeeze %dma_wait3A_551 : memref<1x128x64xf32, #tpu.memory_space<vmem>> -> memref<128x64xf32, #tpu.memory_space<vmem>>
        %dma_wait3A_553 = arith.constant 0 : i32
        %dma_wait3A_554 = arith.constant 0 : i32
        %dma_wait3A_555 = tpu.memref_slice %arg4[%dma_wait3A_553, %dma_wait3A_554] : memref<819200x64xf32, #tpu.memory_space<hbm>> -> memref<128x64xf32, #tpu.memory_space<hbm>>
        %dma_wait3A_556 = tpu.memref_slice %arg8[%dma_wait3A_548] : memref<8x!tpu.dma_semaphore, #tpu.memory_space<semaphore_mem>> -> memref<1x!tpu.dma_semaphore, #tpu.memory_space<semaphore_mem>>
        %dma_wait3A_557 = tpu.memref_squeeze %dma_wait3A_556 : memref<1x!tpu.dma_semaphore, #tpu.memory_space<semaphore_mem>> -> memref<!tpu.dma_semaphore, #tpu.memory_space<semaphore_mem>>
        %dma_wait3A_558 = arith.constant 0 : i32
        %dma_wait3A_559 = arith.constant 0 : i32
        %dma_wait3A_560 = tpu.memref_slice %arg4[%dma_wait3A_558, %dma_wait3A_559] : memref<819200x64xf32, #tpu.memory_space<hbm>> -> memref<128x64xf32, #tpu.memory_space<hbm>>
        %dma_wait3A_561 = arith.constant 0 : i32
        %dma_wait3A_562 = arith.constant 0 : i32
        %dma_wait3A_563 = tpu.memref_slice %arg6[%dma_wait3A_547, %dma_wait3A_561, %dma_wait3A_562] : memref<8x128x64xf32, #tpu.memory_space<vmem>> -> memref<1x128x64xf32, #tpu.memory_space<vmem>>
        %dma_wait3A_564 = tpu.memref_squeeze %dma_wait3A_563 : memref<1x128x64xf32, #tpu.memory_space<vmem>> -> memref<128x64xf32, #tpu.memory_space<vmem>>
        tpu.wait_dma2 semaphore(%dma_wait3A_557 : memref<!tpu.dma_semaphore, #tpu.memory_space<semaphore_mem>>) src(%dma_wait3A_564 : memref<128x64xf32, #tpu.memory_space<vmem>>) dst(%dma_wait3A_560 : memref<128x64xf32, #tpu.memory_space<hbm>>)
      } else {
      }
      %lt3A_250 = arith.constant 200 : i32
      %lt3A_251 = arith.cmpi slt, %add3A_244, %lt3A_250 : i32
      %convert_element_type3A_252 = arith.extui %lt3A_251 : i1 to i32
      %cond3A_253 = arith.constant 0 : i32
      %cond3A_254 = arith.cmpi ne, %convert_element_type3A_252, %cond3A_253 : i32
      scf.if %cond3A_254 {
        %dma_start3A_547 = arith.constant 6 : i32
        %dma_start3A_548 = arith.constant 6 : i32
        %dma_start3A_549 = arith.constant 0 : i32
        %dma_start3A_550 = arith.constant 0 : i32
        %dma_start3A_551 = tpu.memref_slice %arg6[%dma_start3A_547, %dma_start3A_549, %dma_start3A_550] : memref<8x128x64xf32, #tpu.memory_space<vmem>> -> memref<1x128x64xf32, #tpu.memory_space<vmem>>
        %dma_start3A_552 = tpu.memref_squeeze %dma_start3A_551 : memref<1x128x64xf32, #tpu.memory_space<vmem>> -> memref<128x64xf32, #tpu.memory_space<vmem>>
        %dma_start3A_553 = arith.constant 0 : i32
        %dma_start3A_554 = tpu.memref_slice %arg5[%add3A_244, %dma_start3A_553] : memref<200x128xi32, #tpu.memory_space<vmem>> -> memref<1x128xi32, #tpu.memory_space<vmem>>
        %dma_start3A_555 = tpu.memref_squeeze %dma_start3A_554 : memref<1x128xi32, #tpu.memory_space<vmem>> -> memref<128xi32, #tpu.memory_space<vmem>>
        %dma_start3A_556 = arith.constant 0 : i32
        %dma_start3A_557 = arith.constant 0 : i32
        %dma_start3A_558 = tpu.memref_slice %arg2[%dma_start3A_556, %dma_start3A_557] : memref<1000000x64xf32, #tpu.memory_space<hbm>> -> memref<1000000x64xf32, #tpu.memory_space<hbm>>
        %dma_start3A_559 = tpu.memref_slice %arg7[%dma_start3A_548] : memref<8x!tpu.dma_semaphore, #tpu.memory_space<semaphore_mem>> -> memref<1x!tpu.dma_semaphore, #tpu.memory_space<semaphore_mem>>
        %dma_start3A_560 = tpu.memref_squeeze %dma_start3A_559 : memref<1x!tpu.dma_semaphore, #tpu.memory_space<semaphore_mem>> -> memref<!tpu.dma_semaphore, #tpu.memory_space<semaphore_mem>>
        tpu.enqueue_indirect_dma source(%dma_start3A_558 : memref<1000000x64xf32, #tpu.memory_space<hbm>>) target(%dma_start3A_552 : memref<128x64xf32, #tpu.memory_space<vmem>>) offsets(%dma_start3A_555 : memref<128xi32, #tpu.memory_space<vmem>>) semaphore(%dma_start3A_560 : memref<!tpu.dma_semaphore, #tpu.memory_space<semaphore_mem>>)
      } else {
      }
      %dma_wait3A_255 = arith.constant 2 : i32
      %dma_wait3A_256 = arith.constant 2 : i32
      %dma_wait3A_257 = arith.constant 0 : i32
      %dma_wait3A_258 = arith.constant 0 : i32
      %dma_wait3A_259 = tpu.memref_slice %arg6[%dma_wait3A_255, %dma_wait3A_257, %dma_wait3A_258] : memref<8x128x64xf32, #tpu.memory_space<vmem>> -> memref<1x128x64xf32, #tpu.memory_space<vmem>>
      %dma_wait3A_260 = tpu.memref_squeeze %dma_wait3A_259 : memref<1x128x64xf32, #tpu.memory_space<vmem>> -> memref<128x64xf32, #tpu.memory_space<vmem>>
      %dma_wait3A_261 = arith.constant 0 : i32
      %dma_wait3A_262 = arith.constant 0 : i32
      %dma_wait3A_263 = tpu.memref_slice %arg4[%dma_wait3A_261, %dma_wait3A_262] : memref<819200x64xf32, #tpu.memory_space<hbm>> -> memref<128x64xf32, #tpu.memory_space<hbm>>
      %dma_wait3A_264 = tpu.memref_slice %arg7[%dma_wait3A_256] : memref<8x!tpu.dma_semaphore, #tpu.memory_space<semaphore_mem>> -> memref<1x!tpu.dma_semaphore, #tpu.memory_space<semaphore_mem>>
      %dma_wait3A_265 = tpu.memref_squeeze %dma_wait3A_264 : memref<1x!tpu.dma_semaphore, #tpu.memory_space<semaphore_mem>> -> memref<!tpu.dma_semaphore, #tpu.memory_space<semaphore_mem>>
      %dma_wait3A_266 = arith.constant 0 : i32
      %dma_wait3A_267 = arith.constant 0 : i32
      %dma_wait3A_268 = tpu.memref_slice %arg6[%dma_wait3A_255, %dma_wait3A_266, %dma_wait3A_267] : memref<8x128x64xf32, #tpu.memory_space<vmem>> -> memref<1x128x64xf32, #tpu.memory_space<vmem>>
      %dma_wait3A_269 = tpu.memref_squeeze %dma_wait3A_268 : memref<1x128x64xf32, #tpu.memory_space<vmem>> -> memref<128x64xf32, #tpu.memory_space<vmem>>
      %dma_wait3A_270 = arith.constant 0 : i32
      %dma_wait3A_271 = arith.constant 0 : i32
      %dma_wait3A_272 = tpu.memref_slice %arg4[%dma_wait3A_270, %dma_wait3A_271] : memref<819200x64xf32, #tpu.memory_space<hbm>> -> memref<128x64xf32, #tpu.memory_space<hbm>>
      tpu.wait_dma2 semaphore(%dma_wait3A_265 : memref<!tpu.dma_semaphore, #tpu.memory_space<semaphore_mem>>) src(%dma_wait3A_272 : memref<128x64xf32, #tpu.memory_space<hbm>>) dst(%dma_wait3A_269 : memref<128x64xf32, #tpu.memory_space<vmem>>)
      %mul3A_273 = arith.constant 128 : i32
      %mul3A_274 = arith.muli %add3A_242, %mul3A_273 : i32
      %add3A_275 = arith.addi %mul3A_2, %mul3A_274 : i32
      %dma_start3A_276 = arith.constant 2 : i32
      %dma_start3A_277 = arith.constant 2 : i32
      %dma_start3A_278 = arith.constant 0 : i32
      %dma_start3A_279 = arith.constant 0 : i32
      %dma_start3A_280 = tpu.memref_slice %arg6[%dma_start3A_276, %dma_start3A_278, %dma_start3A_279] : memref<8x128x64xf32, #tpu.memory_space<vmem>> -> memref<1x128x64xf32, #tpu.memory_space<vmem>>
      %dma_start3A_281 = tpu.memref_squeeze %dma_start3A_280 : memref<1x128x64xf32, #tpu.memory_space<vmem>> -> memref<128x64xf32, #tpu.memory_space<vmem>>
      %dma_start3A_282 = arith.constant 0 : i32
      %dma_start3A_283 = tpu.memref_slice %arg4[%add3A_275, %dma_start3A_282] : memref<819200x64xf32, #tpu.memory_space<hbm>> -> memref<128x64xf32, #tpu.memory_space<hbm>>
      %dma_start3A_284 = tpu.memref_slice %arg8[%dma_start3A_277] : memref<8x!tpu.dma_semaphore, #tpu.memory_space<semaphore_mem>> -> memref<1x!tpu.dma_semaphore, #tpu.memory_space<semaphore_mem>>
      %dma_start3A_285 = tpu.memref_squeeze %dma_start3A_284 : memref<1x!tpu.dma_semaphore, #tpu.memory_space<semaphore_mem>> -> memref<!tpu.dma_semaphore, #tpu.memory_space<semaphore_mem>>
      %dma_start3A_286 = arith.constant 0 : i32
      %dma_start3A_287 = tpu.memref_slice %arg4[%add3A_275, %dma_start3A_286] : memref<819200x64xf32, #tpu.memory_space<hbm>> -> memref<128x64xf32, #tpu.memory_space<hbm>>
      %dma_start3A_288 = arith.constant 0 : i32
      %dma_start3A_289 = arith.constant 0 : i32
      %dma_start3A_290 = tpu.memref_slice %arg6[%dma_start3A_276, %dma_start3A_288, %dma_start3A_289] : memref<8x128x64xf32, #tpu.memory_space<vmem>> -> memref<1x128x64xf32, #tpu.memory_space<vmem>>
      %dma_start3A_291 = tpu.memref_squeeze %dma_start3A_290 : memref<1x128x64xf32, #tpu.memory_space<vmem>> -> memref<128x64xf32, #tpu.memory_space<vmem>>
      tpu.enqueue_dma source(%dma_start3A_291 : memref<128x64xf32, #tpu.memory_space<vmem>>) target(%dma_start3A_287 : memref<128x64xf32, #tpu.memory_space<hbm>>) target_semaphore(%dma_start3A_285 : memref<!tpu.dma_semaphore, #tpu.memory_space<semaphore_mem>>)
      %add3A_292 = arith.constant 3 : i32
      %add3A_293 = arith.addi %mul3A_142, %add3A_292 : i32
      %add3A_294 = arith.constant 4 : i32
      %add3A_295 = arith.addi %add3A_293, %add3A_294 : i32
      %ge3A_296 = arith.constant 8 : i32
      %ge3A_297 = arith.cmpi sge, %add3A_295, %ge3A_296 : i32
      %convert_element_type3A_298 = arith.extui %ge3A_297 : i1 to i32
      %cond3A_299 = arith.constant 0 : i32
      %cond3A_300 = arith.cmpi ne, %convert_element_type3A_298, %cond3A_299 : i32
      scf.if %cond3A_300 {
        %dma_wait3A_547 = arith.constant 7 : i32
        %dma_wait3A_548 = arith.constant 7 : i32
        %dma_wait3A_549 = arith.constant 0 : i32
        %dma_wait3A_550 = arith.constant 0 : i32
        %dma_wait3A_551 = tpu.memref_slice %arg6[%dma_wait3A_547, %dma_wait3A_549, %dma_wait3A_550] : memref<8x128x64xf32, #tpu.memory_space<vmem>> -> memref<1x128x64xf32, #tpu.memory_space<vmem>>
        %dma_wait3A_552 = tpu.memref_squeeze %dma_wait3A_551 : memref<1x128x64xf32, #tpu.memory_space<vmem>> -> memref<128x64xf32, #tpu.memory_space<vmem>>
        %dma_wait3A_553 = arith.constant 0 : i32
        %dma_wait3A_554 = arith.constant 0 : i32
        %dma_wait3A_555 = tpu.memref_slice %arg4[%dma_wait3A_553, %dma_wait3A_554] : memref<819200x64xf32, #tpu.memory_space<hbm>> -> memref<128x64xf32, #tpu.memory_space<hbm>>
        %dma_wait3A_556 = tpu.memref_slice %arg8[%dma_wait3A_548] : memref<8x!tpu.dma_semaphore, #tpu.memory_space<semaphore_mem>> -> memref<1x!tpu.dma_semaphore, #tpu.memory_space<semaphore_mem>>
        %dma_wait3A_557 = tpu.memref_squeeze %dma_wait3A_556 : memref<1x!tpu.dma_semaphore, #tpu.memory_space<semaphore_mem>> -> memref<!tpu.dma_semaphore, #tpu.memory_space<semaphore_mem>>
        %dma_wait3A_558 = arith.constant 0 : i32
        %dma_wait3A_559 = arith.constant 0 : i32
        %dma_wait3A_560 = tpu.memref_slice %arg4[%dma_wait3A_558, %dma_wait3A_559] : memref<819200x64xf32, #tpu.memory_space<hbm>> -> memref<128x64xf32, #tpu.memory_space<hbm>>
        %dma_wait3A_561 = arith.constant 0 : i32
        %dma_wait3A_562 = arith.constant 0 : i32
        %dma_wait3A_563 = tpu.memref_slice %arg6[%dma_wait3A_547, %dma_wait3A_561, %dma_wait3A_562] : memref<8x128x64xf32, #tpu.memory_space<vmem>> -> memref<1x128x64xf32, #tpu.memory_space<vmem>>
        %dma_wait3A_564 = tpu.memref_squeeze %dma_wait3A_563 : memref<1x128x64xf32, #tpu.memory_space<vmem>> -> memref<128x64xf32, #tpu.memory_space<vmem>>
        tpu.wait_dma2 semaphore(%dma_wait3A_557 : memref<!tpu.dma_semaphore, #tpu.memory_space<semaphore_mem>>) src(%dma_wait3A_564 : memref<128x64xf32, #tpu.memory_space<vmem>>) dst(%dma_wait3A_560 : memref<128x64xf32, #tpu.memory_space<hbm>>)
      } else {
      }
      %lt3A_301 = arith.constant 200 : i32
      %lt3A_302 = arith.cmpi slt, %add3A_295, %lt3A_301 : i32
      %convert_element_type3A_303 = arith.extui %lt3A_302 : i1 to i32
      %cond3A_304 = arith.constant 0 : i32
      %cond3A_305 = arith.cmpi ne, %convert_element_type3A_303, %cond3A_304 : i32
      scf.if %cond3A_305 {
        %dma_start3A_547 = arith.constant 7 : i32
        %dma_start3A_548 = arith.constant 7 : i32
        %dma_start3A_549 = arith.constant 0 : i32
        %dma_start3A_550 = arith.constant 0 : i32
        %dma_start3A_551 = tpu.memref_slice %arg6[%dma_start3A_547, %dma_start3A_549, %dma_start3A_550] : memref<8x128x64xf32, #tpu.memory_space<vmem>> -> memref<1x128x64xf32, #tpu.memory_space<vmem>>
        %dma_start3A_552 = tpu.memref_squeeze %dma_start3A_551 : memref<1x128x64xf32, #tpu.memory_space<vmem>> -> memref<128x64xf32, #tpu.memory_space<vmem>>
        %dma_start3A_553 = arith.constant 0 : i32
        %dma_start3A_554 = tpu.memref_slice %arg5[%add3A_295, %dma_start3A_553] : memref<200x128xi32, #tpu.memory_space<vmem>> -> memref<1x128xi32, #tpu.memory_space<vmem>>
        %dma_start3A_555 = tpu.memref_squeeze %dma_start3A_554 : memref<1x128xi32, #tpu.memory_space<vmem>> -> memref<128xi32, #tpu.memory_space<vmem>>
        %dma_start3A_556 = arith.constant 0 : i32
        %dma_start3A_557 = arith.constant 0 : i32
        %dma_start3A_558 = tpu.memref_slice %arg2[%dma_start3A_556, %dma_start3A_557] : memref<1000000x64xf32, #tpu.memory_space<hbm>> -> memref<1000000x64xf32, #tpu.memory_space<hbm>>
        %dma_start3A_559 = tpu.memref_slice %arg7[%dma_start3A_548] : memref<8x!tpu.dma_semaphore, #tpu.memory_space<semaphore_mem>> -> memref<1x!tpu.dma_semaphore, #tpu.memory_space<semaphore_mem>>
        %dma_start3A_560 = tpu.memref_squeeze %dma_start3A_559 : memref<1x!tpu.dma_semaphore, #tpu.memory_space<semaphore_mem>> -> memref<!tpu.dma_semaphore, #tpu.memory_space<semaphore_mem>>
        tpu.enqueue_indirect_dma source(%dma_start3A_558 : memref<1000000x64xf32, #tpu.memory_space<hbm>>) target(%dma_start3A_552 : memref<128x64xf32, #tpu.memory_space<vmem>>) offsets(%dma_start3A_555 : memref<128xi32, #tpu.memory_space<vmem>>) semaphore(%dma_start3A_560 : memref<!tpu.dma_semaphore, #tpu.memory_space<semaphore_mem>>)
      } else {
      }
      %dma_wait3A_306 = arith.constant 3 : i32
      %dma_wait3A_307 = arith.constant 3 : i32
      %dma_wait3A_308 = arith.constant 0 : i32
      %dma_wait3A_309 = arith.constant 0 : i32
      %dma_wait3A_310 = tpu.memref_slice %arg6[%dma_wait3A_306, %dma_wait3A_308, %dma_wait3A_309] : memref<8x128x64xf32, #tpu.memory_space<vmem>> -> memref<1x128x64xf32, #tpu.memory_space<vmem>>
      %dma_wait3A_311 = tpu.memref_squeeze %dma_wait3A_310 : memref<1x128x64xf32, #tpu.memory_space<vmem>> -> memref<128x64xf32, #tpu.memory_space<vmem>>
      %dma_wait3A_312 = arith.constant 0 : i32
      %dma_wait3A_313 = arith.constant 0 : i32
      %dma_wait3A_314 = tpu.memref_slice %arg4[%dma_wait3A_312, %dma_wait3A_313] : memref<819200x64xf32, #tpu.memory_space<hbm>> -> memref<128x64xf32, #tpu.memory_space<hbm>>
      %dma_wait3A_315 = tpu.memref_slice %arg7[%dma_wait3A_307] : memref<8x!tpu.dma_semaphore, #tpu.memory_space<semaphore_mem>> -> memref<1x!tpu.dma_semaphore, #tpu.memory_space<semaphore_mem>>
      %dma_wait3A_316 = tpu.memref_squeeze %dma_wait3A_315 : memref<1x!tpu.dma_semaphore, #tpu.memory_space<semaphore_mem>> -> memref<!tpu.dma_semaphore, #tpu.memory_space<semaphore_mem>>
      %dma_wait3A_317 = arith.constant 0 : i32
      %dma_wait3A_318 = arith.constant 0 : i32
      %dma_wait3A_319 = tpu.memref_slice %arg6[%dma_wait3A_306, %dma_wait3A_317, %dma_wait3A_318] : memref<8x128x64xf32, #tpu.memory_space<vmem>> -> memref<1x128x64xf32, #tpu.memory_space<vmem>>
      %dma_wait3A_320 = tpu.memref_squeeze %dma_wait3A_319 : memref<1x128x64xf32, #tpu.memory_space<vmem>> -> memref<128x64xf32, #tpu.memory_space<vmem>>
      %dma_wait3A_321 = arith.constant 0 : i32
      %dma_wait3A_322 = arith.constant 0 : i32
      %dma_wait3A_323 = tpu.memref_slice %arg4[%dma_wait3A_321, %dma_wait3A_322] : memref<819200x64xf32, #tpu.memory_space<hbm>> -> memref<128x64xf32, #tpu.memory_space<hbm>>
      tpu.wait_dma2 semaphore(%dma_wait3A_316 : memref<!tpu.dma_semaphore, #tpu.memory_space<semaphore_mem>>) src(%dma_wait3A_323 : memref<128x64xf32, #tpu.memory_space<hbm>>) dst(%dma_wait3A_320 : memref<128x64xf32, #tpu.memory_space<vmem>>)
      %mul3A_324 = arith.constant 128 : i32
      %mul3A_325 = arith.muli %add3A_293, %mul3A_324 : i32
      %add3A_326 = arith.addi %mul3A_2, %mul3A_325 : i32
      %dma_start3A_327 = arith.constant 3 : i32
      %dma_start3A_328 = arith.constant 3 : i32
      %dma_start3A_329 = arith.constant 0 : i32
      %dma_start3A_330 = arith.constant 0 : i32
      %dma_start3A_331 = tpu.memref_slice %arg6[%dma_start3A_327, %dma_start3A_329, %dma_start3A_330] : memref<8x128x64xf32, #tpu.memory_space<vmem>> -> memref<1x128x64xf32, #tpu.memory_space<vmem>>
      %dma_start3A_332 = tpu.memref_squeeze %dma_start3A_331 : memref<1x128x64xf32, #tpu.memory_space<vmem>> -> memref<128x64xf32, #tpu.memory_space<vmem>>
      %dma_start3A_333 = arith.constant 0 : i32
      %dma_start3A_334 = tpu.memref_slice %arg4[%add3A_326, %dma_start3A_333] : memref<819200x64xf32, #tpu.memory_space<hbm>> -> memref<128x64xf32, #tpu.memory_space<hbm>>
      %dma_start3A_335 = tpu.memref_slice %arg8[%dma_start3A_328] : memref<8x!tpu.dma_semaphore, #tpu.memory_space<semaphore_mem>> -> memref<1x!tpu.dma_semaphore, #tpu.memory_space<semaphore_mem>>
      %dma_start3A_336 = tpu.memref_squeeze %dma_start3A_335 : memref<1x!tpu.dma_semaphore, #tpu.memory_space<semaphore_mem>> -> memref<!tpu.dma_semaphore, #tpu.memory_space<semaphore_mem>>
      %dma_start3A_337 = arith.constant 0 : i32
      %dma_start3A_338 = tpu.memref_slice %arg4[%add3A_326, %dma_start3A_337] : memref<819200x64xf32, #tpu.memory_space<hbm>> -> memref<128x64xf32, #tpu.memory_space<hbm>>
      %dma_start3A_339 = arith.constant 0 : i32
      %dma_start3A_340 = arith.constant 0 : i32
      %dma_start3A_341 = tpu.memref_slice %arg6[%dma_start3A_327, %dma_start3A_339, %dma_start3A_340] : memref<8x128x64xf32, #tpu.memory_space<vmem>> -> memref<1x128x64xf32, #tpu.memory_space<vmem>>
      %dma_start3A_342 = tpu.memref_squeeze %dma_start3A_341 : memref<1x128x64xf32, #tpu.memory_space<vmem>> -> memref<128x64xf32, #tpu.memory_space<vmem>>
      tpu.enqueue_dma source(%dma_start3A_342 : memref<128x64xf32, #tpu.memory_space<vmem>>) target(%dma_start3A_338 : memref<128x64xf32, #tpu.memory_space<hbm>>) target_semaphore(%dma_start3A_336 : memref<!tpu.dma_semaphore, #tpu.memory_space<semaphore_mem>>)
      %add3A_343 = arith.constant 4 : i32
      %add3A_344 = arith.addi %mul3A_142, %add3A_343 : i32
      %add3A_345 = arith.constant 4 : i32
      %add3A_346 = arith.addi %add3A_344, %add3A_345 : i32
      %ge3A_347 = arith.constant 8 : i32
      %ge3A_348 = arith.cmpi sge, %add3A_346, %ge3A_347 : i32
      %convert_element_type3A_349 = arith.extui %ge3A_348 : i1 to i32
      %cond3A_350 = arith.constant 0 : i32
      %cond3A_351 = arith.cmpi ne, %convert_element_type3A_349, %cond3A_350 : i32
      scf.if %cond3A_351 {
        %dma_wait3A_547 = arith.constant 0 : i32
        %dma_wait3A_548 = arith.constant 0 : i32
        %dma_wait3A_549 = arith.constant 0 : i32
        %dma_wait3A_550 = arith.constant 0 : i32
        %dma_wait3A_551 = tpu.memref_slice %arg6[%dma_wait3A_547, %dma_wait3A_549, %dma_wait3A_550] : memref<8x128x64xf32, #tpu.memory_space<vmem>> -> memref<1x128x64xf32, #tpu.memory_space<vmem>>
        %dma_wait3A_552 = tpu.memref_squeeze %dma_wait3A_551 : memref<1x128x64xf32, #tpu.memory_space<vmem>> -> memref<128x64xf32, #tpu.memory_space<vmem>>
        %dma_wait3A_553 = arith.constant 0 : i32
        %dma_wait3A_554 = arith.constant 0 : i32
        %dma_wait3A_555 = tpu.memref_slice %arg4[%dma_wait3A_553, %dma_wait3A_554] : memref<819200x64xf32, #tpu.memory_space<hbm>> -> memref<128x64xf32, #tpu.memory_space<hbm>>
        %dma_wait3A_556 = tpu.memref_slice %arg8[%dma_wait3A_548] : memref<8x!tpu.dma_semaphore, #tpu.memory_space<semaphore_mem>> -> memref<1x!tpu.dma_semaphore, #tpu.memory_space<semaphore_mem>>
        %dma_wait3A_557 = tpu.memref_squeeze %dma_wait3A_556 : memref<1x!tpu.dma_semaphore, #tpu.memory_space<semaphore_mem>> -> memref<!tpu.dma_semaphore, #tpu.memory_space<semaphore_mem>>
        %dma_wait3A_558 = arith.constant 0 : i32
        %dma_wait3A_559 = arith.constant 0 : i32
        %dma_wait3A_560 = tpu.memref_slice %arg4[%dma_wait3A_558, %dma_wait3A_559] : memref<819200x64xf32, #tpu.memory_space<hbm>> -> memref<128x64xf32, #tpu.memory_space<hbm>>
        %dma_wait3A_561 = arith.constant 0 : i32
        %dma_wait3A_562 = arith.constant 0 : i32
        %dma_wait3A_563 = tpu.memref_slice %arg6[%dma_wait3A_547, %dma_wait3A_561, %dma_wait3A_562] : memref<8x128x64xf32, #tpu.memory_space<vmem>> -> memref<1x128x64xf32, #tpu.memory_space<vmem>>
        %dma_wait3A_564 = tpu.memref_squeeze %dma_wait3A_563 : memref<1x128x64xf32, #tpu.memory_space<vmem>> -> memref<128x64xf32, #tpu.memory_space<vmem>>
        tpu.wait_dma2 semaphore(%dma_wait3A_557 : memref<!tpu.dma_semaphore, #tpu.memory_space<semaphore_mem>>) src(%dma_wait3A_564 : memref<128x64xf32, #tpu.memory_space<vmem>>) dst(%dma_wait3A_560 : memref<128x64xf32, #tpu.memory_space<hbm>>)
      } else {
      }
      %lt3A_352 = arith.constant 200 : i32
      %lt3A_353 = arith.cmpi slt, %add3A_346, %lt3A_352 : i32
      %convert_element_type3A_354 = arith.extui %lt3A_353 : i1 to i32
      %cond3A_355 = arith.constant 0 : i32
      %cond3A_356 = arith.cmpi ne, %convert_element_type3A_354, %cond3A_355 : i32
      scf.if %cond3A_356 {
        %dma_start3A_547 = arith.constant 0 : i32
        %dma_start3A_548 = arith.constant 0 : i32
        %dma_start3A_549 = arith.constant 0 : i32
        %dma_start3A_550 = arith.constant 0 : i32
        %dma_start3A_551 = tpu.memref_slice %arg6[%dma_start3A_547, %dma_start3A_549, %dma_start3A_550] : memref<8x128x64xf32, #tpu.memory_space<vmem>> -> memref<1x128x64xf32, #tpu.memory_space<vmem>>
        %dma_start3A_552 = tpu.memref_squeeze %dma_start3A_551 : memref<1x128x64xf32, #tpu.memory_space<vmem>> -> memref<128x64xf32, #tpu.memory_space<vmem>>
        %dma_start3A_553 = arith.constant 0 : i32
        %dma_start3A_554 = tpu.memref_slice %arg5[%add3A_346, %dma_start3A_553] : memref<200x128xi32, #tpu.memory_space<vmem>> -> memref<1x128xi32, #tpu.memory_space<vmem>>
        %dma_start3A_555 = tpu.memref_squeeze %dma_start3A_554 : memref<1x128xi32, #tpu.memory_space<vmem>> -> memref<128xi32, #tpu.memory_space<vmem>>
        %dma_start3A_556 = arith.constant 0 : i32
        %dma_start3A_557 = arith.constant 0 : i32
        %dma_start3A_558 = tpu.memref_slice %arg2[%dma_start3A_556, %dma_start3A_557] : memref<1000000x64xf32, #tpu.memory_space<hbm>> -> memref<1000000x64xf32, #tpu.memory_space<hbm>>
        %dma_start3A_559 = tpu.memref_slice %arg7[%dma_start3A_548] : memref<8x!tpu.dma_semaphore, #tpu.memory_space<semaphore_mem>> -> memref<1x!tpu.dma_semaphore, #tpu.memory_space<semaphore_mem>>
        %dma_start3A_560 = tpu.memref_squeeze %dma_start3A_559 : memref<1x!tpu.dma_semaphore, #tpu.memory_space<semaphore_mem>> -> memref<!tpu.dma_semaphore, #tpu.memory_space<semaphore_mem>>
        tpu.enqueue_indirect_dma source(%dma_start3A_558 : memref<1000000x64xf32, #tpu.memory_space<hbm>>) target(%dma_start3A_552 : memref<128x64xf32, #tpu.memory_space<vmem>>) offsets(%dma_start3A_555 : memref<128xi32, #tpu.memory_space<vmem>>) semaphore(%dma_start3A_560 : memref<!tpu.dma_semaphore, #tpu.memory_space<semaphore_mem>>)
      } else {
      }
      %dma_wait3A_357 = arith.constant 4 : i32
      %dma_wait3A_358 = arith.constant 4 : i32
      %dma_wait3A_359 = arith.constant 0 : i32
      %dma_wait3A_360 = arith.constant 0 : i32
      %dma_wait3A_361 = tpu.memref_slice %arg6[%dma_wait3A_357, %dma_wait3A_359, %dma_wait3A_360] : memref<8x128x64xf32, #tpu.memory_space<vmem>> -> memref<1x128x64xf32, #tpu.memory_space<vmem>>
      %dma_wait3A_362 = tpu.memref_squeeze %dma_wait3A_361 : memref<1x128x64xf32, #tpu.memory_space<vmem>> -> memref<128x64xf32, #tpu.memory_space<vmem>>
      %dma_wait3A_363 = arith.constant 0 : i32
      %dma_wait3A_364 = arith.constant 0 : i32
      %dma_wait3A_365 = tpu.memref_slice %arg4[%dma_wait3A_363, %dma_wait3A_364] : memref<819200x64xf32, #tpu.memory_space<hbm>> -> memref<128x64xf32, #tpu.memory_space<hbm>>
      %dma_wait3A_366 = tpu.memref_slice %arg7[%dma_wait3A_358] : memref<8x!tpu.dma_semaphore, #tpu.memory_space<semaphore_mem>> -> memref<1x!tpu.dma_semaphore, #tpu.memory_space<semaphore_mem>>
      %dma_wait3A_367 = tpu.memref_squeeze %dma_wait3A_366 : memref<1x!tpu.dma_semaphore, #tpu.memory_space<semaphore_mem>> -> memref<!tpu.dma_semaphore, #tpu.memory_space<semaphore_mem>>
      %dma_wait3A_368 = arith.constant 0 : i32
      %dma_wait3A_369 = arith.constant 0 : i32
      %dma_wait3A_370 = tpu.memref_slice %arg6[%dma_wait3A_357, %dma_wait3A_368, %dma_wait3A_369] : memref<8x128x64xf32, #tpu.memory_space<vmem>> -> memref<1x128x64xf32, #tpu.memory_space<vmem>>
      %dma_wait3A_371 = tpu.memref_squeeze %dma_wait3A_370 : memref<1x128x64xf32, #tpu.memory_space<vmem>> -> memref<128x64xf32, #tpu.memory_space<vmem>>
      %dma_wait3A_372 = arith.constant 0 : i32
      %dma_wait3A_373 = arith.constant 0 : i32
      %dma_wait3A_374 = tpu.memref_slice %arg4[%dma_wait3A_372, %dma_wait3A_373] : memref<819200x64xf32, #tpu.memory_space<hbm>> -> memref<128x64xf32, #tpu.memory_space<hbm>>
      tpu.wait_dma2 semaphore(%dma_wait3A_367 : memref<!tpu.dma_semaphore, #tpu.memory_space<semaphore_mem>>) src(%dma_wait3A_374 : memref<128x64xf32, #tpu.memory_space<hbm>>) dst(%dma_wait3A_371 : memref<128x64xf32, #tpu.memory_space<vmem>>)
      %mul3A_375 = arith.constant 128 : i32
      %mul3A_376 = arith.muli %add3A_344, %mul3A_375 : i32
      %add3A_377 = arith.addi %mul3A_2, %mul3A_376 : i32
      %dma_start3A_378 = arith.constant 4 : i32
      %dma_start3A_379 = arith.constant 4 : i32
      %dma_start3A_380 = arith.constant 0 : i32
      %dma_start3A_381 = arith.constant 0 : i32
      %dma_start3A_382 = tpu.memref_slice %arg6[%dma_start3A_378, %dma_start3A_380, %dma_start3A_381] : memref<8x128x64xf32, #tpu.memory_space<vmem>> -> memref<1x128x64xf32, #tpu.memory_space<vmem>>
      %dma_start3A_383 = tpu.memref_squeeze %dma_start3A_382 : memref<1x128x64xf32, #tpu.memory_space<vmem>> -> memref<128x64xf32, #tpu.memory_space<vmem>>
      %dma_start3A_384 = arith.constant 0 : i32
      %dma_start3A_385 = tpu.memref_slice %arg4[%add3A_377, %dma_start3A_384] : memref<819200x64xf32, #tpu.memory_space<hbm>> -> memref<128x64xf32, #tpu.memory_space<hbm>>
      %dma_start3A_386 = tpu.memref_slice %arg8[%dma_start3A_379] : memref<8x!tpu.dma_semaphore, #tpu.memory_space<semaphore_mem>> -> memref<1x!tpu.dma_semaphore, #tpu.memory_space<semaphore_mem>>
      %dma_start3A_387 = tpu.memref_squeeze %dma_start3A_386 : memref<1x!tpu.dma_semaphore, #tpu.memory_space<semaphore_mem>> -> memref<!tpu.dma_semaphore, #tpu.memory_space<semaphore_mem>>
      %dma_start3A_388 = arith.constant 0 : i32
      %dma_start3A_389 = tpu.memref_slice %arg4[%add3A_377, %dma_start3A_388] : memref<819200x64xf32, #tpu.memory_space<hbm>> -> memref<128x64xf32, #tpu.memory_space<hbm>>
      %dma_start3A_390 = arith.constant 0 : i32
      %dma_start3A_391 = arith.constant 0 : i32
      %dma_start3A_392 = tpu.memref_slice %arg6[%dma_start3A_378, %dma_start3A_390, %dma_start3A_391] : memref<8x128x64xf32, #tpu.memory_space<vmem>> -> memref<1x128x64xf32, #tpu.memory_space<vmem>>
      %dma_start3A_393 = tpu.memref_squeeze %dma_start3A_392 : memref<1x128x64xf32, #tpu.memory_space<vmem>> -> memref<128x64xf32, #tpu.memory_space<vmem>>
      tpu.enqueue_dma source(%dma_start3A_393 : memref<128x64xf32, #tpu.memory_space<vmem>>) target(%dma_start3A_389 : memref<128x64xf32, #tpu.memory_space<hbm>>) target_semaphore(%dma_start3A_387 : memref<!tpu.dma_semaphore, #tpu.memory_space<semaphore_mem>>)
      %add3A_394 = arith.constant 5 : i32
      %add3A_395 = arith.addi %mul3A_142, %add3A_394 : i32
      %add3A_396 = arith.constant 4 : i32
      %add3A_397 = arith.addi %add3A_395, %add3A_396 : i32
      %ge3A_398 = arith.constant 8 : i32
      %ge3A_399 = arith.cmpi sge, %add3A_397, %ge3A_398 : i32
      %convert_element_type3A_400 = arith.extui %ge3A_399 : i1 to i32
      %cond3A_401 = arith.constant 0 : i32
      %cond3A_402 = arith.cmpi ne, %convert_element_type3A_400, %cond3A_401 : i32
      scf.if %cond3A_402 {
        %dma_wait3A_547 = arith.constant 1 : i32
        %dma_wait3A_548 = arith.constant 1 : i32
        %dma_wait3A_549 = arith.constant 0 : i32
        %dma_wait3A_550 = arith.constant 0 : i32
        %dma_wait3A_551 = tpu.memref_slice %arg6[%dma_wait3A_547, %dma_wait3A_549, %dma_wait3A_550] : memref<8x128x64xf32, #tpu.memory_space<vmem>> -> memref<1x128x64xf32, #tpu.memory_space<vmem>>
        %dma_wait3A_552 = tpu.memref_squeeze %dma_wait3A_551 : memref<1x128x64xf32, #tpu.memory_space<vmem>> -> memref<128x64xf32, #tpu.memory_space<vmem>>
        %dma_wait3A_553 = arith.constant 0 : i32
        %dma_wait3A_554 = arith.constant 0 : i32
        %dma_wait3A_555 = tpu.memref_slice %arg4[%dma_wait3A_553, %dma_wait3A_554] : memref<819200x64xf32, #tpu.memory_space<hbm>> -> memref<128x64xf32, #tpu.memory_space<hbm>>
        %dma_wait3A_556 = tpu.memref_slice %arg8[%dma_wait3A_548] : memref<8x!tpu.dma_semaphore, #tpu.memory_space<semaphore_mem>> -> memref<1x!tpu.dma_semaphore, #tpu.memory_space<semaphore_mem>>
        %dma_wait3A_557 = tpu.memref_squeeze %dma_wait3A_556 : memref<1x!tpu.dma_semaphore, #tpu.memory_space<semaphore_mem>> -> memref<!tpu.dma_semaphore, #tpu.memory_space<semaphore_mem>>
        %dma_wait3A_558 = arith.constant 0 : i32
        %dma_wait3A_559 = arith.constant 0 : i32
        %dma_wait3A_560 = tpu.memref_slice %arg4[%dma_wait3A_558, %dma_wait3A_559] : memref<819200x64xf32, #tpu.memory_space<hbm>> -> memref<128x64xf32, #tpu.memory_space<hbm>>
        %dma_wait3A_561 = arith.constant 0 : i32
        %dma_wait3A_562 = arith.constant 0 : i32
        %dma_wait3A_563 = tpu.memref_slice %arg6[%dma_wait3A_547, %dma_wait3A_561, %dma_wait3A_562] : memref<8x128x64xf32, #tpu.memory_space<vmem>> -> memref<1x128x64xf32, #tpu.memory_space<vmem>>
        %dma_wait3A_564 = tpu.memref_squeeze %dma_wait3A_563 : memref<1x128x64xf32, #tpu.memory_space<vmem>> -> memref<128x64xf32, #tpu.memory_space<vmem>>
        tpu.wait_dma2 semaphore(%dma_wait3A_557 : memref<!tpu.dma_semaphore, #tpu.memory_space<semaphore_mem>>) src(%dma_wait3A_564 : memref<128x64xf32, #tpu.memory_space<vmem>>) dst(%dma_wait3A_560 : memref<128x64xf32, #tpu.memory_space<hbm>>)
      } else {
      }
      %lt3A_403 = arith.constant 200 : i32
      %lt3A_404 = arith.cmpi slt, %add3A_397, %lt3A_403 : i32
      %convert_element_type3A_405 = arith.extui %lt3A_404 : i1 to i32
      %cond3A_406 = arith.constant 0 : i32
      %cond3A_407 = arith.cmpi ne, %convert_element_type3A_405, %cond3A_406 : i32
      scf.if %cond3A_407 {
        %dma_start3A_547 = arith.constant 1 : i32
        %dma_start3A_548 = arith.constant 1 : i32
        %dma_start3A_549 = arith.constant 0 : i32
        %dma_start3A_550 = arith.constant 0 : i32
        %dma_start3A_551 = tpu.memref_slice %arg6[%dma_start3A_547, %dma_start3A_549, %dma_start3A_550] : memref<8x128x64xf32, #tpu.memory_space<vmem>> -> memref<1x128x64xf32, #tpu.memory_space<vmem>>
        %dma_start3A_552 = tpu.memref_squeeze %dma_start3A_551 : memref<1x128x64xf32, #tpu.memory_space<vmem>> -> memref<128x64xf32, #tpu.memory_space<vmem>>
        %dma_start3A_553 = arith.constant 0 : i32
        %dma_start3A_554 = tpu.memref_slice %arg5[%add3A_397, %dma_start3A_553] : memref<200x128xi32, #tpu.memory_space<vmem>> -> memref<1x128xi32, #tpu.memory_space<vmem>>
        %dma_start3A_555 = tpu.memref_squeeze %dma_start3A_554 : memref<1x128xi32, #tpu.memory_space<vmem>> -> memref<128xi32, #tpu.memory_space<vmem>>
        %dma_start3A_556 = arith.constant 0 : i32
        %dma_start3A_557 = arith.constant 0 : i32
        %dma_start3A_558 = tpu.memref_slice %arg2[%dma_start3A_556, %dma_start3A_557] : memref<1000000x64xf32, #tpu.memory_space<hbm>> -> memref<1000000x64xf32, #tpu.memory_space<hbm>>
        %dma_start3A_559 = tpu.memref_slice %arg7[%dma_start3A_548] : memref<8x!tpu.dma_semaphore, #tpu.memory_space<semaphore_mem>> -> memref<1x!tpu.dma_semaphore, #tpu.memory_space<semaphore_mem>>
        %dma_start3A_560 = tpu.memref_squeeze %dma_start3A_559 : memref<1x!tpu.dma_semaphore, #tpu.memory_space<semaphore_mem>> -> memref<!tpu.dma_semaphore, #tpu.memory_space<semaphore_mem>>
        tpu.enqueue_indirect_dma source(%dma_start3A_558 : memref<1000000x64xf32, #tpu.memory_space<hbm>>) target(%dma_start3A_552 : memref<128x64xf32, #tpu.memory_space<vmem>>) offsets(%dma_start3A_555 : memref<128xi32, #tpu.memory_space<vmem>>) semaphore(%dma_start3A_560 : memref<!tpu.dma_semaphore, #tpu.memory_space<semaphore_mem>>)
      } else {
      }
      %dma_wait3A_408 = arith.constant 5 : i32
      %dma_wait3A_409 = arith.constant 5 : i32
      %dma_wait3A_410 = arith.constant 0 : i32
      %dma_wait3A_411 = arith.constant 0 : i32
      %dma_wait3A_412 = tpu.memref_slice %arg6[%dma_wait3A_408, %dma_wait3A_410, %dma_wait3A_411] : memref<8x128x64xf32, #tpu.memory_space<vmem>> -> memref<1x128x64xf32, #tpu.memory_space<vmem>>
      %dma_wait3A_413 = tpu.memref_squeeze %dma_wait3A_412 : memref<1x128x64xf32, #tpu.memory_space<vmem>> -> memref<128x64xf32, #tpu.memory_space<vmem>>
      %dma_wait3A_414 = arith.constant 0 : i32
      %dma_wait3A_415 = arith.constant 0 : i32
      %dma_wait3A_416 = tpu.memref_slice %arg4[%dma_wait3A_414, %dma_wait3A_415] : memref<819200x64xf32, #tpu.memory_space<hbm>> -> memref<128x64xf32, #tpu.memory_space<hbm>>
      %dma_wait3A_417 = tpu.memref_slice %arg7[%dma_wait3A_409] : memref<8x!tpu.dma_semaphore, #tpu.memory_space<semaphore_mem>> -> memref<1x!tpu.dma_semaphore, #tpu.memory_space<semaphore_mem>>
      %dma_wait3A_418 = tpu.memref_squeeze %dma_wait3A_417 : memref<1x!tpu.dma_semaphore, #tpu.memory_space<semaphore_mem>> -> memref<!tpu.dma_semaphore, #tpu.memory_space<semaphore_mem>>
      %dma_wait3A_419 = arith.constant 0 : i32
      %dma_wait3A_420 = arith.constant 0 : i32
      %dma_wait3A_421 = tpu.memref_slice %arg6[%dma_wait3A_408, %dma_wait3A_419, %dma_wait3A_420] : memref<8x128x64xf32, #tpu.memory_space<vmem>> -> memref<1x128x64xf32, #tpu.memory_space<vmem>>
      %dma_wait3A_422 = tpu.memref_squeeze %dma_wait3A_421 : memref<1x128x64xf32, #tpu.memory_space<vmem>> -> memref<128x64xf32, #tpu.memory_space<vmem>>
      %dma_wait3A_423 = arith.constant 0 : i32
      %dma_wait3A_424 = arith.constant 0 : i32
      %dma_wait3A_425 = tpu.memref_slice %arg4[%dma_wait3A_423, %dma_wait3A_424] : memref<819200x64xf32, #tpu.memory_space<hbm>> -> memref<128x64xf32, #tpu.memory_space<hbm>>
      tpu.wait_dma2 semaphore(%dma_wait3A_418 : memref<!tpu.dma_semaphore, #tpu.memory_space<semaphore_mem>>) src(%dma_wait3A_425 : memref<128x64xf32, #tpu.memory_space<hbm>>) dst(%dma_wait3A_422 : memref<128x64xf32, #tpu.memory_space<vmem>>)
      %mul3A_426 = arith.constant 128 : i32
      %mul3A_427 = arith.muli %add3A_395, %mul3A_426 : i32
      %add3A_428 = arith.addi %mul3A_2, %mul3A_427 : i32
      %dma_start3A_429 = arith.constant 5 : i32
      %dma_start3A_430 = arith.constant 5 : i32
      %dma_start3A_431 = arith.constant 0 : i32
      %dma_start3A_432 = arith.constant 0 : i32
      %dma_start3A_433 = tpu.memref_slice %arg6[%dma_start3A_429, %dma_start3A_431, %dma_start3A_432] : memref<8x128x64xf32, #tpu.memory_space<vmem>> -> memref<1x128x64xf32, #tpu.memory_space<vmem>>
      %dma_start3A_434 = tpu.memref_squeeze %dma_start3A_433 : memref<1x128x64xf32, #tpu.memory_space<vmem>> -> memref<128x64xf32, #tpu.memory_space<vmem>>
      %dma_start3A_435 = arith.constant 0 : i32
      %dma_start3A_436 = tpu.memref_slice %arg4[%add3A_428, %dma_start3A_435] : memref<819200x64xf32, #tpu.memory_space<hbm>> -> memref<128x64xf32, #tpu.memory_space<hbm>>
      %dma_start3A_437 = tpu.memref_slice %arg8[%dma_start3A_430] : memref<8x!tpu.dma_semaphore, #tpu.memory_space<semaphore_mem>> -> memref<1x!tpu.dma_semaphore, #tpu.memory_space<semaphore_mem>>
      %dma_start3A_438 = tpu.memref_squeeze %dma_start3A_437 : memref<1x!tpu.dma_semaphore, #tpu.memory_space<semaphore_mem>> -> memref<!tpu.dma_semaphore, #tpu.memory_space<semaphore_mem>>
      %dma_start3A_439 = arith.constant 0 : i32
      %dma_start3A_440 = tpu.memref_slice %arg4[%add3A_428, %dma_start3A_439] : memref<819200x64xf32, #tpu.memory_space<hbm>> -> memref<128x64xf32, #tpu.memory_space<hbm>>
      %dma_start3A_441 = arith.constant 0 : i32
      %dma_start3A_442 = arith.constant 0 : i32
      %dma_start3A_443 = tpu.memref_slice %arg6[%dma_start3A_429, %dma_start3A_441, %dma_start3A_442] : memref<8x128x64xf32, #tpu.memory_space<vmem>> -> memref<1x128x64xf32, #tpu.memory_space<vmem>>
      %dma_start3A_444 = tpu.memref_squeeze %dma_start3A_443 : memref<1x128x64xf32, #tpu.memory_space<vmem>> -> memref<128x64xf32, #tpu.memory_space<vmem>>
      tpu.enqueue_dma source(%dma_start3A_444 : memref<128x64xf32, #tpu.memory_space<vmem>>) target(%dma_start3A_440 : memref<128x64xf32, #tpu.memory_space<hbm>>) target_semaphore(%dma_start3A_438 : memref<!tpu.dma_semaphore, #tpu.memory_space<semaphore_mem>>)
      %add3A_445 = arith.constant 6 : i32
      %add3A_446 = arith.addi %mul3A_142, %add3A_445 : i32
      %add3A_447 = arith.constant 4 : i32
      %add3A_448 = arith.addi %add3A_446, %add3A_447 : i32
      %ge3A_449 = arith.constant 8 : i32
      %ge3A_450 = arith.cmpi sge, %add3A_448, %ge3A_449 : i32
      %convert_element_type3A_451 = arith.extui %ge3A_450 : i1 to i32
      %cond3A_452 = arith.constant 0 : i32
      %cond3A_453 = arith.cmpi ne, %convert_element_type3A_451, %cond3A_452 : i32
      scf.if %cond3A_453 {
        %dma_wait3A_547 = arith.constant 2 : i32
        %dma_wait3A_548 = arith.constant 2 : i32
        %dma_wait3A_549 = arith.constant 0 : i32
        %dma_wait3A_550 = arith.constant 0 : i32
        %dma_wait3A_551 = tpu.memref_slice %arg6[%dma_wait3A_547, %dma_wait3A_549, %dma_wait3A_550] : memref<8x128x64xf32, #tpu.memory_space<vmem>> -> memref<1x128x64xf32, #tpu.memory_space<vmem>>
        %dma_wait3A_552 = tpu.memref_squeeze %dma_wait3A_551 : memref<1x128x64xf32, #tpu.memory_space<vmem>> -> memref<128x64xf32, #tpu.memory_space<vmem>>
        %dma_wait3A_553 = arith.constant 0 : i32
        %dma_wait3A_554 = arith.constant 0 : i32
        %dma_wait3A_555 = tpu.memref_slice %arg4[%dma_wait3A_553, %dma_wait3A_554] : memref<819200x64xf32, #tpu.memory_space<hbm>> -> memref<128x64xf32, #tpu.memory_space<hbm>>
        %dma_wait3A_556 = tpu.memref_slice %arg8[%dma_wait3A_548] : memref<8x!tpu.dma_semaphore, #tpu.memory_space<semaphore_mem>> -> memref<1x!tpu.dma_semaphore, #tpu.memory_space<semaphore_mem>>
        %dma_wait3A_557 = tpu.memref_squeeze %dma_wait3A_556 : memref<1x!tpu.dma_semaphore, #tpu.memory_space<semaphore_mem>> -> memref<!tpu.dma_semaphore, #tpu.memory_space<semaphore_mem>>
        %dma_wait3A_558 = arith.constant 0 : i32
        %dma_wait3A_559 = arith.constant 0 : i32
        %dma_wait3A_560 = tpu.memref_slice %arg4[%dma_wait3A_558, %dma_wait3A_559] : memref<819200x64xf32, #tpu.memory_space<hbm>> -> memref<128x64xf32, #tpu.memory_space<hbm>>
        %dma_wait3A_561 = arith.constant 0 : i32
        %dma_wait3A_562 = arith.constant 0 : i32
        %dma_wait3A_563 = tpu.memref_slice %arg6[%dma_wait3A_547, %dma_wait3A_561, %dma_wait3A_562] : memref<8x128x64xf32, #tpu.memory_space<vmem>> -> memref<1x128x64xf32, #tpu.memory_space<vmem>>
        %dma_wait3A_564 = tpu.memref_squeeze %dma_wait3A_563 : memref<1x128x64xf32, #tpu.memory_space<vmem>> -> memref<128x64xf32, #tpu.memory_space<vmem>>
        tpu.wait_dma2 semaphore(%dma_wait3A_557 : memref<!tpu.dma_semaphore, #tpu.memory_space<semaphore_mem>>) src(%dma_wait3A_564 : memref<128x64xf32, #tpu.memory_space<vmem>>) dst(%dma_wait3A_560 : memref<128x64xf32, #tpu.memory_space<hbm>>)
      } else {
      }
      %lt3A_454 = arith.constant 200 : i32
      %lt3A_455 = arith.cmpi slt, %add3A_448, %lt3A_454 : i32
      %convert_element_type3A_456 = arith.extui %lt3A_455 : i1 to i32
      %cond3A_457 = arith.constant 0 : i32
      %cond3A_458 = arith.cmpi ne, %convert_element_type3A_456, %cond3A_457 : i32
      scf.if %cond3A_458 {
        %dma_start3A_547 = arith.constant 2 : i32
        %dma_start3A_548 = arith.constant 2 : i32
        %dma_start3A_549 = arith.constant 0 : i32
        %dma_start3A_550 = arith.constant 0 : i32
        %dma_start3A_551 = tpu.memref_slice %arg6[%dma_start3A_547, %dma_start3A_549, %dma_start3A_550] : memref<8x128x64xf32, #tpu.memory_space<vmem>> -> memref<1x128x64xf32, #tpu.memory_space<vmem>>
        %dma_start3A_552 = tpu.memref_squeeze %dma_start3A_551 : memref<1x128x64xf32, #tpu.memory_space<vmem>> -> memref<128x64xf32, #tpu.memory_space<vmem>>
        %dma_start3A_553 = arith.constant 0 : i32
        %dma_start3A_554 = tpu.memref_slice %arg5[%add3A_448, %dma_start3A_553] : memref<200x128xi32, #tpu.memory_space<vmem>> -> memref<1x128xi32, #tpu.memory_space<vmem>>
        %dma_start3A_555 = tpu.memref_squeeze %dma_start3A_554 : memref<1x128xi32, #tpu.memory_space<vmem>> -> memref<128xi32, #tpu.memory_space<vmem>>
        %dma_start3A_556 = arith.constant 0 : i32
        %dma_start3A_557 = arith.constant 0 : i32
        %dma_start3A_558 = tpu.memref_slice %arg2[%dma_start3A_556, %dma_start3A_557] : memref<1000000x64xf32, #tpu.memory_space<hbm>> -> memref<1000000x64xf32, #tpu.memory_space<hbm>>
        %dma_start3A_559 = tpu.memref_slice %arg7[%dma_start3A_548] : memref<8x!tpu.dma_semaphore, #tpu.memory_space<semaphore_mem>> -> memref<1x!tpu.dma_semaphore, #tpu.memory_space<semaphore_mem>>
        %dma_start3A_560 = tpu.memref_squeeze %dma_start3A_559 : memref<1x!tpu.dma_semaphore, #tpu.memory_space<semaphore_mem>> -> memref<!tpu.dma_semaphore, #tpu.memory_space<semaphore_mem>>
        tpu.enqueue_indirect_dma source(%dma_start3A_558 : memref<1000000x64xf32, #tpu.memory_space<hbm>>) target(%dma_start3A_552 : memref<128x64xf32, #tpu.memory_space<vmem>>) offsets(%dma_start3A_555 : memref<128xi32, #tpu.memory_space<vmem>>) semaphore(%dma_start3A_560 : memref<!tpu.dma_semaphore, #tpu.memory_space<semaphore_mem>>)
      } else {
      }
      %dma_wait3A_459 = arith.constant 6 : i32
      %dma_wait3A_460 = arith.constant 6 : i32
      %dma_wait3A_461 = arith.constant 0 : i32
      %dma_wait3A_462 = arith.constant 0 : i32
      %dma_wait3A_463 = tpu.memref_slice %arg6[%dma_wait3A_459, %dma_wait3A_461, %dma_wait3A_462] : memref<8x128x64xf32, #tpu.memory_space<vmem>> -> memref<1x128x64xf32, #tpu.memory_space<vmem>>
      %dma_wait3A_464 = tpu.memref_squeeze %dma_wait3A_463 : memref<1x128x64xf32, #tpu.memory_space<vmem>> -> memref<128x64xf32, #tpu.memory_space<vmem>>
      %dma_wait3A_465 = arith.constant 0 : i32
      %dma_wait3A_466 = arith.constant 0 : i32
      %dma_wait3A_467 = tpu.memref_slice %arg4[%dma_wait3A_465, %dma_wait3A_466] : memref<819200x64xf32, #tpu.memory_space<hbm>> -> memref<128x64xf32, #tpu.memory_space<hbm>>
      %dma_wait3A_468 = tpu.memref_slice %arg7[%dma_wait3A_460] : memref<8x!tpu.dma_semaphore, #tpu.memory_space<semaphore_mem>> -> memref<1x!tpu.dma_semaphore, #tpu.memory_space<semaphore_mem>>
      %dma_wait3A_469 = tpu.memref_squeeze %dma_wait3A_468 : memref<1x!tpu.dma_semaphore, #tpu.memory_space<semaphore_mem>> -> memref<!tpu.dma_semaphore, #tpu.memory_space<semaphore_mem>>
      %dma_wait3A_470 = arith.constant 0 : i32
      %dma_wait3A_471 = arith.constant 0 : i32
      %dma_wait3A_472 = tpu.memref_slice %arg6[%dma_wait3A_459, %dma_wait3A_470, %dma_wait3A_471] : memref<8x128x64xf32, #tpu.memory_space<vmem>> -> memref<1x128x64xf32, #tpu.memory_space<vmem>>
      %dma_wait3A_473 = tpu.memref_squeeze %dma_wait3A_472 : memref<1x128x64xf32, #tpu.memory_space<vmem>> -> memref<128x64xf32, #tpu.memory_space<vmem>>
      %dma_wait3A_474 = arith.constant 0 : i32
      %dma_wait3A_475 = arith.constant 0 : i32
      %dma_wait3A_476 = tpu.memref_slice %arg4[%dma_wait3A_474, %dma_wait3A_475] : memref<819200x64xf32, #tpu.memory_space<hbm>> -> memref<128x64xf32, #tpu.memory_space<hbm>>
      tpu.wait_dma2 semaphore(%dma_wait3A_469 : memref<!tpu.dma_semaphore, #tpu.memory_space<semaphore_mem>>) src(%dma_wait3A_476 : memref<128x64xf32, #tpu.memory_space<hbm>>) dst(%dma_wait3A_473 : memref<128x64xf32, #tpu.memory_space<vmem>>)
      %mul3A_477 = arith.constant 128 : i32
      %mul3A_478 = arith.muli %add3A_446, %mul3A_477 : i32
      %add3A_479 = arith.addi %mul3A_2, %mul3A_478 : i32
      %dma_start3A_480 = arith.constant 6 : i32
      %dma_start3A_481 = arith.constant 6 : i32
      %dma_start3A_482 = arith.constant 0 : i32
      %dma_start3A_483 = arith.constant 0 : i32
      %dma_start3A_484 = tpu.memref_slice %arg6[%dma_start3A_480, %dma_start3A_482, %dma_start3A_483] : memref<8x128x64xf32, #tpu.memory_space<vmem>> -> memref<1x128x64xf32, #tpu.memory_space<vmem>>
      %dma_start3A_485 = tpu.memref_squeeze %dma_start3A_484 : memref<1x128x64xf32, #tpu.memory_space<vmem>> -> memref<128x64xf32, #tpu.memory_space<vmem>>
      %dma_start3A_486 = arith.constant 0 : i32
      %dma_start3A_487 = tpu.memref_slice %arg4[%add3A_479, %dma_start3A_486] : memref<819200x64xf32, #tpu.memory_space<hbm>> -> memref<128x64xf32, #tpu.memory_space<hbm>>
      %dma_start3A_488 = tpu.memref_slice %arg8[%dma_start3A_481] : memref<8x!tpu.dma_semaphore, #tpu.memory_space<semaphore_mem>> -> memref<1x!tpu.dma_semaphore, #tpu.memory_space<semaphore_mem>>
      %dma_start3A_489 = tpu.memref_squeeze %dma_start3A_488 : memref<1x!tpu.dma_semaphore, #tpu.memory_space<semaphore_mem>> -> memref<!tpu.dma_semaphore, #tpu.memory_space<semaphore_mem>>
      %dma_start3A_490 = arith.constant 0 : i32
      %dma_start3A_491 = tpu.memref_slice %arg4[%add3A_479, %dma_start3A_490] : memref<819200x64xf32, #tpu.memory_space<hbm>> -> memref<128x64xf32, #tpu.memory_space<hbm>>
      %dma_start3A_492 = arith.constant 0 : i32
      %dma_start3A_493 = arith.constant 0 : i32
      %dma_start3A_494 = tpu.memref_slice %arg6[%dma_start3A_480, %dma_start3A_492, %dma_start3A_493] : memref<8x128x64xf32, #tpu.memory_space<vmem>> -> memref<1x128x64xf32, #tpu.memory_space<vmem>>
      %dma_start3A_495 = tpu.memref_squeeze %dma_start3A_494 : memref<1x128x64xf32, #tpu.memory_space<vmem>> -> memref<128x64xf32, #tpu.memory_space<vmem>>
      tpu.enqueue_dma source(%dma_start3A_495 : memref<128x64xf32, #tpu.memory_space<vmem>>) target(%dma_start3A_491 : memref<128x64xf32, #tpu.memory_space<hbm>>) target_semaphore(%dma_start3A_489 : memref<!tpu.dma_semaphore, #tpu.memory_space<semaphore_mem>>)
      %add3A_496 = arith.constant 7 : i32
      %add3A_497 = arith.addi %mul3A_142, %add3A_496 : i32
      %add3A_498 = arith.constant 4 : i32
      %add3A_499 = arith.addi %add3A_497, %add3A_498 : i32
      %ge3A_500 = arith.constant 8 : i32
      %ge3A_501 = arith.cmpi sge, %add3A_499, %ge3A_500 : i32
      %convert_element_type3A_502 = arith.extui %ge3A_501 : i1 to i32
      %cond3A_503 = arith.constant 0 : i32
      %cond3A_504 = arith.cmpi ne, %convert_element_type3A_502, %cond3A_503 : i32
      scf.if %cond3A_504 {
        %dma_wait3A_547 = arith.constant 3 : i32
        %dma_wait3A_548 = arith.constant 3 : i32
        %dma_wait3A_549 = arith.constant 0 : i32
        %dma_wait3A_550 = arith.constant 0 : i32
        %dma_wait3A_551 = tpu.memref_slice %arg6[%dma_wait3A_547, %dma_wait3A_549, %dma_wait3A_550] : memref<8x128x64xf32, #tpu.memory_space<vmem>> -> memref<1x128x64xf32, #tpu.memory_space<vmem>>
        %dma_wait3A_552 = tpu.memref_squeeze %dma_wait3A_551 : memref<1x128x64xf32, #tpu.memory_space<vmem>> -> memref<128x64xf32, #tpu.memory_space<vmem>>
        %dma_wait3A_553 = arith.constant 0 : i32
        %dma_wait3A_554 = arith.constant 0 : i32
        %dma_wait3A_555 = tpu.memref_slice %arg4[%dma_wait3A_553, %dma_wait3A_554] : memref<819200x64xf32, #tpu.memory_space<hbm>> -> memref<128x64xf32, #tpu.memory_space<hbm>>
        %dma_wait3A_556 = tpu.memref_slice %arg8[%dma_wait3A_548] : memref<8x!tpu.dma_semaphore, #tpu.memory_space<semaphore_mem>> -> memref<1x!tpu.dma_semaphore, #tpu.memory_space<semaphore_mem>>
        %dma_wait3A_557 = tpu.memref_squeeze %dma_wait3A_556 : memref<1x!tpu.dma_semaphore, #tpu.memory_space<semaphore_mem>> -> memref<!tpu.dma_semaphore, #tpu.memory_space<semaphore_mem>>
        %dma_wait3A_558 = arith.constant 0 : i32
        %dma_wait3A_559 = arith.constant 0 : i32
        %dma_wait3A_560 = tpu.memref_slice %arg4[%dma_wait3A_558, %dma_wait3A_559] : memref<819200x64xf32, #tpu.memory_space<hbm>> -> memref<128x64xf32, #tpu.memory_space<hbm>>
        %dma_wait3A_561 = arith.constant 0 : i32
        %dma_wait3A_562 = arith.constant 0 : i32
        %dma_wait3A_563 = tpu.memref_slice %arg6[%dma_wait3A_547, %dma_wait3A_561, %dma_wait3A_562] : memref<8x128x64xf32, #tpu.memory_space<vmem>> -> memref<1x128x64xf32, #tpu.memory_space<vmem>>
        %dma_wait3A_564 = tpu.memref_squeeze %dma_wait3A_563 : memref<1x128x64xf32, #tpu.memory_space<vmem>> -> memref<128x64xf32, #tpu.memory_space<vmem>>
        tpu.wait_dma2 semaphore(%dma_wait3A_557 : memref<!tpu.dma_semaphore, #tpu.memory_space<semaphore_mem>>) src(%dma_wait3A_564 : memref<128x64xf32, #tpu.memory_space<vmem>>) dst(%dma_wait3A_560 : memref<128x64xf32, #tpu.memory_space<hbm>>)
      } else {
      }
      %lt3A_505 = arith.constant 200 : i32
      %lt3A_506 = arith.cmpi slt, %add3A_499, %lt3A_505 : i32
      %convert_element_type3A_507 = arith.extui %lt3A_506 : i1 to i32
      %cond3A_508 = arith.constant 0 : i32
      %cond3A_509 = arith.cmpi ne, %convert_element_type3A_507, %cond3A_508 : i32
      scf.if %cond3A_509 {
        %dma_start3A_547 = arith.constant 3 : i32
        %dma_start3A_548 = arith.constant 3 : i32
        %dma_start3A_549 = arith.constant 0 : i32
        %dma_start3A_550 = arith.constant 0 : i32
        %dma_start3A_551 = tpu.memref_slice %arg6[%dma_start3A_547, %dma_start3A_549, %dma_start3A_550] : memref<8x128x64xf32, #tpu.memory_space<vmem>> -> memref<1x128x64xf32, #tpu.memory_space<vmem>>
        %dma_start3A_552 = tpu.memref_squeeze %dma_start3A_551 : memref<1x128x64xf32, #tpu.memory_space<vmem>> -> memref<128x64xf32, #tpu.memory_space<vmem>>
        %dma_start3A_553 = arith.constant 0 : i32
        %dma_start3A_554 = tpu.memref_slice %arg5[%add3A_499, %dma_start3A_553] : memref<200x128xi32, #tpu.memory_space<vmem>> -> memref<1x128xi32, #tpu.memory_space<vmem>>
        %dma_start3A_555 = tpu.memref_squeeze %dma_start3A_554 : memref<1x128xi32, #tpu.memory_space<vmem>> -> memref<128xi32, #tpu.memory_space<vmem>>
        %dma_start3A_556 = arith.constant 0 : i32
        %dma_start3A_557 = arith.constant 0 : i32
        %dma_start3A_558 = tpu.memref_slice %arg2[%dma_start3A_556, %dma_start3A_557] : memref<1000000x64xf32, #tpu.memory_space<hbm>> -> memref<1000000x64xf32, #tpu.memory_space<hbm>>
        %dma_start3A_559 = tpu.memref_slice %arg7[%dma_start3A_548] : memref<8x!tpu.dma_semaphore, #tpu.memory_space<semaphore_mem>> -> memref<1x!tpu.dma_semaphore, #tpu.memory_space<semaphore_mem>>
        %dma_start3A_560 = tpu.memref_squeeze %dma_start3A_559 : memref<1x!tpu.dma_semaphore, #tpu.memory_space<semaphore_mem>> -> memref<!tpu.dma_semaphore, #tpu.memory_space<semaphore_mem>>
        tpu.enqueue_indirect_dma source(%dma_start3A_558 : memref<1000000x64xf32, #tpu.memory_space<hbm>>) target(%dma_start3A_552 : memref<128x64xf32, #tpu.memory_space<vmem>>) offsets(%dma_start3A_555 : memref<128xi32, #tpu.memory_space<vmem>>) semaphore(%dma_start3A_560 : memref<!tpu.dma_semaphore, #tpu.memory_space<semaphore_mem>>)
      } else {
      }
      %dma_wait3A_510 = arith.constant 7 : i32
      %dma_wait3A_511 = arith.constant 7 : i32
      %dma_wait3A_512 = arith.constant 0 : i32
      %dma_wait3A_513 = arith.constant 0 : i32
      %dma_wait3A_514 = tpu.memref_slice %arg6[%dma_wait3A_510, %dma_wait3A_512, %dma_wait3A_513] : memref<8x128x64xf32, #tpu.memory_space<vmem>> -> memref<1x128x64xf32, #tpu.memory_space<vmem>>
      %dma_wait3A_515 = tpu.memref_squeeze %dma_wait3A_514 : memref<1x128x64xf32, #tpu.memory_space<vmem>> -> memref<128x64xf32, #tpu.memory_space<vmem>>
      %dma_wait3A_516 = arith.constant 0 : i32
      %dma_wait3A_517 = arith.constant 0 : i32
      %dma_wait3A_518 = tpu.memref_slice %arg4[%dma_wait3A_516, %dma_wait3A_517] : memref<819200x64xf32, #tpu.memory_space<hbm>> -> memref<128x64xf32, #tpu.memory_space<hbm>>
      %dma_wait3A_519 = tpu.memref_slice %arg7[%dma_wait3A_511] : memref<8x!tpu.dma_semaphore, #tpu.memory_space<semaphore_mem>> -> memref<1x!tpu.dma_semaphore, #tpu.memory_space<semaphore_mem>>
      %dma_wait3A_520 = tpu.memref_squeeze %dma_wait3A_519 : memref<1x!tpu.dma_semaphore, #tpu.memory_space<semaphore_mem>> -> memref<!tpu.dma_semaphore, #tpu.memory_space<semaphore_mem>>
      %dma_wait3A_521 = arith.constant 0 : i32
      %dma_wait3A_522 = arith.constant 0 : i32
      %dma_wait3A_523 = tpu.memref_slice %arg6[%dma_wait3A_510, %dma_wait3A_521, %dma_wait3A_522] : memref<8x128x64xf32, #tpu.memory_space<vmem>> -> memref<1x128x64xf32, #tpu.memory_space<vmem>>
      %dma_wait3A_524 = tpu.memref_squeeze %dma_wait3A_523 : memref<1x128x64xf32, #tpu.memory_space<vmem>> -> memref<128x64xf32, #tpu.memory_space<vmem>>
      %dma_wait3A_525 = arith.constant 0 : i32
      %dma_wait3A_526 = arith.constant 0 : i32
      %dma_wait3A_527 = tpu.memref_slice %arg4[%dma_wait3A_525, %dma_wait3A_526] : memref<819200x64xf32, #tpu.memory_space<hbm>> -> memref<128x64xf32, #tpu.memory_space<hbm>>
      tpu.wait_dma2 semaphore(%dma_wait3A_520 : memref<!tpu.dma_semaphore, #tpu.memory_space<semaphore_mem>>) src(%dma_wait3A_527 : memref<128x64xf32, #tpu.memory_space<hbm>>) dst(%dma_wait3A_524 : memref<128x64xf32, #tpu.memory_space<vmem>>)
      %mul3A_528 = arith.constant 128 : i32
      %mul3A_529 = arith.muli %add3A_497, %mul3A_528 : i32
      %add3A_530 = arith.addi %mul3A_2, %mul3A_529 : i32
      %dma_start3A_531 = arith.constant 7 : i32
      %dma_start3A_532 = arith.constant 7 : i32
      %dma_start3A_533 = arith.constant 0 : i32
      %dma_start3A_534 = arith.constant 0 : i32
      %dma_start3A_535 = tpu.memref_slice %arg6[%dma_start3A_531, %dma_start3A_533, %dma_start3A_534] : memref<8x128x64xf32, #tpu.memory_space<vmem>> -> memref<1x128x64xf32, #tpu.memory_space<vmem>>
      %dma_start3A_536 = tpu.memref_squeeze %dma_start3A_535 : memref<1x128x64xf32, #tpu.memory_space<vmem>> -> memref<128x64xf32, #tpu.memory_space<vmem>>
      %dma_start3A_537 = arith.constant 0 : i32
      %dma_start3A_538 = tpu.memref_slice %arg4[%add3A_530, %dma_start3A_537] : memref<819200x64xf32, #tpu.memory_space<hbm>> -> memref<128x64xf32, #tpu.memory_space<hbm>>
      %dma_start3A_539 = tpu.memref_slice %arg8[%dma_start3A_532] : memref<8x!tpu.dma_semaphore, #tpu.memory_space<semaphore_mem>> -> memref<1x!tpu.dma_semaphore, #tpu.memory_space<semaphore_mem>>
      %dma_start3A_540 = tpu.memref_squeeze %dma_start3A_539 : memref<1x!tpu.dma_semaphore, #tpu.memory_space<semaphore_mem>> -> memref<!tpu.dma_semaphore, #tpu.memory_space<semaphore_mem>>
      %dma_start3A_541 = arith.constant 0 : i32
      %dma_start3A_542 = tpu.memref_slice %arg4[%add3A_530, %dma_start3A_541] : memref<819200x64xf32, #tpu.memory_space<hbm>> -> memref<128x64xf32, #tpu.memory_space<hbm>>
      %dma_start3A_543 = arith.constant 0 : i32
      %dma_start3A_544 = arith.constant 0 : i32
      %dma_start3A_545 = tpu.memref_slice %arg6[%dma_start3A_531, %dma_start3A_543, %dma_start3A_544] : memref<8x128x64xf32, #tpu.memory_space<vmem>> -> memref<1x128x64xf32, #tpu.memory_space<vmem>>
      %dma_start3A_546 = tpu.memref_squeeze %dma_start3A_545 : memref<1x128x64xf32, #tpu.memory_space<vmem>> -> memref<128x64xf32, #tpu.memory_space<vmem>>
      tpu.enqueue_dma source(%dma_start3A_546 : memref<128x64xf32, #tpu.memory_space<vmem>>) target(%dma_start3A_542 : memref<128x64xf32, #tpu.memory_space<hbm>>) target_semaphore(%dma_start3A_540 : memref<!tpu.dma_semaphore, #tpu.memory_space<semaphore_mem>>)
    }
    %scan3A_68 = arith.constant 25 : i32
    %dma_wait3A = arith.constant 4 : i32
    %dma_wait3A_69 = arith.constant 4 : i32
    %dma_wait3A_70 = arith.constant 0 : i32
    %dma_wait3A_71 = arith.constant 0 : i32
    %dma_wait3A_72 = tpu.memref_slice %arg6[%dma_wait3A, %dma_wait3A_70, %dma_wait3A_71] : memref<8x128x64xf32, #tpu.memory_space<vmem>> -> memref<1x128x64xf32, #tpu.memory_space<vmem>>
    %dma_wait3A_73 = tpu.memref_squeeze %dma_wait3A_72 : memref<1x128x64xf32, #tpu.memory_space<vmem>> -> memref<128x64xf32, #tpu.memory_space<vmem>>
    %dma_wait3A_74 = arith.constant 0 : i32
    %dma_wait3A_75 = arith.constant 0 : i32
    %dma_wait3A_76 = tpu.memref_slice %arg4[%dma_wait3A_74, %dma_wait3A_75] : memref<819200x64xf32, #tpu.memory_space<hbm>> -> memref<128x64xf32, #tpu.memory_space<hbm>>
    %dma_wait3A_77 = tpu.memref_slice %arg8[%dma_wait3A_69] : memref<8x!tpu.dma_semaphore, #tpu.memory_space<semaphore_mem>> -> memref<1x!tpu.dma_semaphore, #tpu.memory_space<semaphore_mem>>
    %dma_wait3A_78 = tpu.memref_squeeze %dma_wait3A_77 : memref<1x!tpu.dma_semaphore, #tpu.memory_space<semaphore_mem>> -> memref<!tpu.dma_semaphore, #tpu.memory_space<semaphore_mem>>
    %dma_wait3A_79 = arith.constant 0 : i32
    %dma_wait3A_80 = arith.constant 0 : i32
    %dma_wait3A_81 = tpu.memref_slice %arg4[%dma_wait3A_79, %dma_wait3A_80] : memref<819200x64xf32, #tpu.memory_space<hbm>> -> memref<128x64xf32, #tpu.memory_space<hbm>>
    %dma_wait3A_82 = arith.constant 0 : i32
    %dma_wait3A_83 = arith.constant 0 : i32
    %dma_wait3A_84 = tpu.memref_slice %arg6[%dma_wait3A, %dma_wait3A_82, %dma_wait3A_83] : memref<8x128x64xf32, #tpu.memory_space<vmem>> -> memref<1x128x64xf32, #tpu.memory_space<vmem>>
    %dma_wait3A_85 = tpu.memref_squeeze %dma_wait3A_84 : memref<1x128x64xf32, #tpu.memory_space<vmem>> -> memref<128x64xf32, #tpu.memory_space<vmem>>
    tpu.wait_dma2 semaphore(%dma_wait3A_78 : memref<!tpu.dma_semaphore, #tpu.memory_space<semaphore_mem>>) src(%dma_wait3A_85 : memref<128x64xf32, #tpu.memory_space<vmem>>) dst(%dma_wait3A_81 : memref<128x64xf32, #tpu.memory_space<hbm>>)
    %dma_wait3A_86 = arith.constant 5 : i32
    %dma_wait3A_87 = arith.constant 5 : i32
    %dma_wait3A_88 = arith.constant 0 : i32
    %dma_wait3A_89 = arith.constant 0 : i32
    %dma_wait3A_90 = tpu.memref_slice %arg6[%dma_wait3A_86, %dma_wait3A_88, %dma_wait3A_89] : memref<8x128x64xf32, #tpu.memory_space<vmem>> -> memref<1x128x64xf32, #tpu.memory_space<vmem>>
    %dma_wait3A_91 = tpu.memref_squeeze %dma_wait3A_90 : memref<1x128x64xf32, #tpu.memory_space<vmem>> -> memref<128x64xf32, #tpu.memory_space<vmem>>
    %dma_wait3A_92 = arith.constant 0 : i32
    %dma_wait3A_93 = arith.constant 0 : i32
    %dma_wait3A_94 = tpu.memref_slice %arg4[%dma_wait3A_92, %dma_wait3A_93] : memref<819200x64xf32, #tpu.memory_space<hbm>> -> memref<128x64xf32, #tpu.memory_space<hbm>>
    %dma_wait3A_95 = tpu.memref_slice %arg8[%dma_wait3A_87] : memref<8x!tpu.dma_semaphore, #tpu.memory_space<semaphore_mem>> -> memref<1x!tpu.dma_semaphore, #tpu.memory_space<semaphore_mem>>
    %dma_wait3A_96 = tpu.memref_squeeze %dma_wait3A_95 : memref<1x!tpu.dma_semaphore, #tpu.memory_space<semaphore_mem>> -> memref<!tpu.dma_semaphore, #tpu.memory_space<semaphore_mem>>
    %dma_wait3A_97 = arith.constant 0 : i32
    %dma_wait3A_98 = arith.constant 0 : i32
    %dma_wait3A_99 = tpu.memref_slice %arg4[%dma_wait3A_97, %dma_wait3A_98] : memref<819200x64xf32, #tpu.memory_space<hbm>> -> memref<128x64xf32, #tpu.memory_space<hbm>>
    %dma_wait3A_100 = arith.constant 0 : i32
    %dma_wait3A_101 = arith.constant 0 : i32
    %dma_wait3A_102 = tpu.memref_slice %arg6[%dma_wait3A_86, %dma_wait3A_100, %dma_wait3A_101] : memref<8x128x64xf32, #tpu.memory_space<vmem>> -> memref<1x128x64xf32, #tpu.memory_space<vmem>>
    %dma_wait3A_103 = tpu.memref_squeeze %dma_wait3A_102 : memref<1x128x64xf32, #tpu.memory_space<vmem>> -> memref<128x64xf32, #tpu.memory_space<vmem>>
    tpu.wait_dma2 semaphore(%dma_wait3A_96 : memref<!tpu.dma_semaphore, #tpu.memory_space<semaphore_mem>>) src(%dma_wait3A_103 : memref<128x64xf32, #tpu.memory_space<vmem>>) dst(%dma_wait3A_99 : memref<128x64xf32, #tpu.memory_space<hbm>>)
    %dma_wait3A_104 = arith.constant 6 : i32
    %dma_wait3A_105 = arith.constant 6 : i32
    %dma_wait3A_106 = arith.constant 0 : i32
    %dma_wait3A_107 = arith.constant 0 : i32
    %dma_wait3A_108 = tpu.memref_slice %arg6[%dma_wait3A_104, %dma_wait3A_106, %dma_wait3A_107] : memref<8x128x64xf32, #tpu.memory_space<vmem>> -> memref<1x128x64xf32, #tpu.memory_space<vmem>>
    %dma_wait3A_109 = tpu.memref_squeeze %dma_wait3A_108 : memref<1x128x64xf32, #tpu.memory_space<vmem>> -> memref<128x64xf32, #tpu.memory_space<vmem>>
    %dma_wait3A_110 = arith.constant 0 : i32
    %dma_wait3A_111 = arith.constant 0 : i32
    %dma_wait3A_112 = tpu.memref_slice %arg4[%dma_wait3A_110, %dma_wait3A_111] : memref<819200x64xf32, #tpu.memory_space<hbm>> -> memref<128x64xf32, #tpu.memory_space<hbm>>
    %dma_wait3A_113 = tpu.memref_slice %arg8[%dma_wait3A_105] : memref<8x!tpu.dma_semaphore, #tpu.memory_space<semaphore_mem>> -> memref<1x!tpu.dma_semaphore, #tpu.memory_space<semaphore_mem>>
    %dma_wait3A_114 = tpu.memref_squeeze %dma_wait3A_113 : memref<1x!tpu.dma_semaphore, #tpu.memory_space<semaphore_mem>> -> memref<!tpu.dma_semaphore, #tpu.memory_space<semaphore_mem>>
    %dma_wait3A_115 = arith.constant 0 : i32
    %dma_wait3A_116 = arith.constant 0 : i32
    %dma_wait3A_117 = tpu.memref_slice %arg4[%dma_wait3A_115, %dma_wait3A_116] : memref<819200x64xf32, #tpu.memory_space<hbm>> -> memref<128x64xf32, #tpu.memory_space<hbm>>
    %dma_wait3A_118 = arith.constant 0 : i32
    %dma_wait3A_119 = arith.constant 0 : i32
    %dma_wait3A_120 = tpu.memref_slice %arg6[%dma_wait3A_104, %dma_wait3A_118, %dma_wait3A_119] : memref<8x128x64xf32, #tpu.memory_space<vmem>> -> memref<1x128x64xf32, #tpu.memory_space<vmem>>
    %dma_wait3A_121 = tpu.memref_squeeze %dma_wait3A_120 : memref<1x128x64xf32, #tpu.memory_space<vmem>> -> memref<128x64xf32, #tpu.memory_space<vmem>>
    tpu.wait_dma2 semaphore(%dma_wait3A_114 : memref<!tpu.dma_semaphore, #tpu.memory_space<semaphore_mem>>) src(%dma_wait3A_121 : memref<128x64xf32, #tpu.memory_space<vmem>>) dst(%dma_wait3A_117 : memref<128x64xf32, #tpu.memory_space<hbm>>)
    %dma_wait3A_122 = arith.constant 7 : i32
    %dma_wait3A_123 = arith.constant 7 : i32
    %dma_wait3A_124 = arith.constant 0 : i32
    %dma_wait3A_125 = arith.constant 0 : i32
    %dma_wait3A_126 = tpu.memref_slice %arg6[%dma_wait3A_122, %dma_wait3A_124, %dma_wait3A_125] : memref<8x128x64xf32, #tpu.memory_space<vmem>> -> memref<1x128x64xf32, #tpu.memory_space<vmem>>
    %dma_wait3A_127 = tpu.memref_squeeze %dma_wait3A_126 : memref<1x128x64xf32, #tpu.memory_space<vmem>> -> memref<128x64xf32, #tpu.memory_space<vmem>>
    %dma_wait3A_128 = arith.constant 0 : i32
    %dma_wait3A_129 = arith.constant 0 : i32
    %dma_wait3A_130 = tpu.memref_slice %arg4[%dma_wait3A_128, %dma_wait3A_129] : memref<819200x64xf32, #tpu.memory_space<hbm>> -> memref<128x64xf32, #tpu.memory_space<hbm>>
    %dma_wait3A_131 = tpu.memref_slice %arg8[%dma_wait3A_123] : memref<8x!tpu.dma_semaphore, #tpu.memory_space<semaphore_mem>> -> memref<1x!tpu.dma_semaphore, #tpu.memory_space<semaphore_mem>>
    %dma_wait3A_132 = tpu.memref_squeeze %dma_wait3A_131 : memref<1x!tpu.dma_semaphore, #tpu.memory_space<semaphore_mem>> -> memref<!tpu.dma_semaphore, #tpu.memory_space<semaphore_mem>>
    %dma_wait3A_133 = arith.constant 0 : i32
    %dma_wait3A_134 = arith.constant 0 : i32
    %dma_wait3A_135 = tpu.memref_slice %arg4[%dma_wait3A_133, %dma_wait3A_134] : memref<819200x64xf32, #tpu.memory_space<hbm>> -> memref<128x64xf32, #tpu.memory_space<hbm>>
    %dma_wait3A_136 = arith.constant 0 : i32
    %dma_wait3A_137 = arith.constant 0 : i32
    %dma_wait3A_138 = tpu.memref_slice %arg6[%dma_wait3A_122, %dma_wait3A_136, %dma_wait3A_137] : memref<8x128x64xf32, #tpu.memory_space<vmem>> -> memref<1x128x64xf32, #tpu.memory_space<vmem>>
    %dma_wait3A_139 = tpu.memref_squeeze %dma_wait3A_138 : memref<1x128x64xf32, #tpu.memory_space<vmem>> -> memref<128x64xf32, #tpu.memory_space<vmem>>
    tpu.wait_dma2 semaphore(%dma_wait3A_132 : memref<!tpu.dma_semaphore, #tpu.memory_space<semaphore_mem>>) src(%dma_wait3A_139 : memref<128x64xf32, #tpu.memory_space<vmem>>) dst(%dma_wait3A_135 : memref<128x64xf32, #tpu.memory_space<hbm>>)
    return
  }
}

</mosaic_0001>

<sc_bundles>
// kernel: kernel.3.cloned.1.call-start
scs
__scs_entry_jumppad:
0x0: {  	(pc) =	sbr.rel $0x88, $3  }
0x1: {  	(tag) =	ssettag $0x0;
	lr =	simm.s32 $0x1  }
0x2: {  	[smem:$0x3F9F] =	sst lr;
	_ =	strace $0xD0000000  }
0x3: {  	_ = 	snop  }
0x4: {  	_ = 	snop  }
0x5: {  	_ = 	snop  }
0x6: {  	_ = 	snop  }
0x7: {  	_ = 	snop  }
__scs_overlays_trampoline_lowered:
0x8: {  	[smem:$0x3FAE] =	sst s0  }
0x9: {  	[smem:$0x3FAF] =	sst s1  }
0xa: {  	[smem:$0x3FB0] =	sst s2  }
0xb: {  	[smem:$0x3FB1] =	sst s3  }
0xc: {  	[smem:$0x3FB2] =	sst s4  }
0xd: {  	[smem:$0x3FB3] =	sst s5  }
0xe: {  	[smem:$0x3FB4] =	sst s6  }
0xf: {  	[smem:$0x3FB5] =	sst s7  }
0x10: {  	[smem:$0x3FB6] =	sst s8  }
0x11: {  	[smem:$0x3FB7] =	sst s9;
	s0 =	simm.s32 @!p0 $0x0  }
0x12: {  	s1 =	sld [smem:$0x3F9D];
	s0 =	simm.s32 @p0 $0x1  }
0x13: {  	[smem:$0x3FB8] =	sst s0;
	s0 =	simm.s32 @!p1 $0x0  }
0x14: {  	s2 =	sld [smem:$0x3F9C];
	s0 =	simm.s32 @p1 $0x1  }
0x15: {  	[smem:$0x3FB9] =	sst s0;
	s0 =	simm.s32 @!p2 $0x0  }
0x16: {  	s3 =	sld [smem:$0x3FDB];
	s0 =	simm.s32 @p2 $0x1  }
0x17: {  	s4 =	simm.s32 $0x1BF5;
	[smem:$0x3FBB] =	sst s0  }
0x18: {  	s0 =	sld [smem:$0x3F9E];
	_ =	swait.ge [sflag:s4], $0x0  }
0x19: {  	s7 =	sld [smem:$0x3F9F]  }
0x1a: {  	s8 =	sadd.s32 $0xFFFFE003, lr  }
0x1b: {  	s9 =	sadd.s32 $0xFFFFFEF7, lr;
	s5 =	simm.s32 $0xFFFFFFFF;
	p2 =	slt.u32 s8, $0xFFFFF086  }
0x1c: {  	p1 =	slt.u32 s9, $0xF7A;
	s5 =	simm.s32 @!p2 $0x0  }
0x1d: {  	s5 =	simm.s32 @p1 $0x1;
	p0 =	seq.s32 s7, s2  }
0x1e: {  	s7 =	smul.u32 @!p0 $0xF7A, s2;
	p2 =	seq.s32 @!p0 s5, $0x0  }
0x1f: {  	s9 =	smul.u32 $0xF7A, s1;
	s8 =	simm.s32 @!p0 $0x1BF5;
	p2 =	por !p2, p0  }
0x20: {  	[sflag:s8] =	ssyncset.s32 @!p0 $0xFFFFF086;
	s6 =	sadd.s32 @!p0 s3, s7;
	s7 =	simm.s32 @!p0 $0x108  }
0x21: {  	s3 =	sadd.s32 s3, s9;
	s6 =	sadd.s32 @!p0 $0x88, s6;
	s7 =	simm.s32 @p2 $0x1082  }
0x22: {  	[simem:s7], [sflag:s8] =	dma.local @!p0 [hbm:s6], $0xF7A  }
0x23: {  	s9 =	sor.u32 $0xD0000000, s2;
	s6 =	simm.s32 $0x108;
	_ =	swait.ge @!p0 [sflag:s8], $0x0  }
0x24: {  	s3 =	sadd.s32 $0x88, s3;
	s6 =	simm.s32 @!p1 $0x1082;
	[sflag:s4] =	ssyncset.s32 $0xFFFFF086  }
0x25: {  	[simem:s6], [sflag:s4] =	dma.local [hbm:s3], $0xF7A  }
0x26: {  	[smem:$0x3F9F] =	sst s1;
	(tag) =	ssettag s2;
	_ =	strace s9  }
0x27: {  	s1 =	sld [smem:$0x3FAF]  }
0x28: {  	s2 =	sld [smem:$0x3FB0]  }
0x29: {  	s4 =	sld [smem:$0x3FB2]  }
0x2a: {  	p0 =	seq.s32 s5, $0x0;
	s5 =	sld [smem:$0x3FB3]  }
0x2b: {  	s6 =	sld [smem:$0x3FB4]  }
0x2c: {  	s7 =	sld [smem:$0x3FB5]  }
0x2d: {  	s3 =	simm.s32 $0x108;
	s8 =	sld [smem:$0x3FB6]  }
0x2e: {  	s3 =	simm.s32 @!p0 $0x1082;
	s9 =	sld [smem:$0x3FB7]  }
0x2f: {  	lr =	sadd.s32 s0, s3;
	s0 =	sld [smem:$0x3FAE]  }
0x30: {  	s3 =	sld [smem:$0x3FB1]  }
0x31: {  	[smem:$0x3FBA] =	sst s10  }
0x32: {  	s10 =	sld [smem:$0x3FB8];
	_ =	sdelay $0x3  }
0x33: {  	p0 =	seq.s32 s10, $0x1;
	s10 =	sld [smem:$0x3FBA];
	_ =	sdelay $0x3  }
0x34: {  	[smem:$0x3FBA] =	sst s10  }
0x35: {  	s10 =	sld [smem:$0x3FB9];
	_ =	sdelay $0x3  }
0x36: {  	p1 =	seq.s32 s10, $0x1;
	s10 =	sld [smem:$0x3FBA];
	_ =	sdelay $0x3  }
0x37: {  	[smem:$0x3FBA] =	sst s10  }
0x38: {  	s10 =	sld [smem:$0x3FBB]  }
0x39: {  	_ = 	snop;
	(pc) =	sbr.ind lr, $3  }
0x3a: {  	_ = 	snop  }
0x3b: {  	_ = 	snop  }
0x3c: {  	p2 =	seq.s32 s10, $0x1;
	s10 =	sld [smem:$0x3FBA]  }
0x3d: {  	_ =	shalt  }
0x3e: {  	_ =	shalt  }
0x3f: {  	_ =	shalt  }
0x40: {  	_ =	shalt  }
0x41: {  	_ =	shalt  }
0x42: {  	_ =	shalt  }
0x43: {  	_ =	shalt  }
0x44: {  	_ =	shalt  }
0x45: {  	_ =	shalt  }
0x46: {  	_ =	shalt  }
0x47: {  	_ =	shalt  }
0x48: {  	_ =	shalt  }
0x49: {  	_ =	shalt  }
0x4a: {  	_ =	shalt  }
0x4b: {  	_ =	shalt  }
0x4c: {  	_ =	shalt  }
0x4d: {  	_ =	shalt  }
0x4e: {  	_ =	shalt  }
0x4f: {  	_ =	shalt  }
0x50: {  	_ =	shalt  }
0x51: {  	_ =	shalt  }
0x52: {  	_ =	shalt  }
0x53: {  	_ =	shalt  }
0x54: {  	_ =	shalt  }
0x55: {  	_ =	shalt  }
0x56: {  	_ =	shalt  }
0x57: {  	_ =	shalt  }
0x58: {  	_ =	shalt  }
0x59: {  	_ =	shalt  }
0x5a: {  	_ =	shalt  }
0x5b: {  	_ =	shalt  }
0x5c: {  	_ =	shalt  }
0x5d: {  	_ =	shalt  }
0x5e: {  	_ =	shalt  }
0x5f: {  	_ =	shalt  }
0x60: {  	_ =	shalt  }
0x61: {  	_ =	shalt  }
0x62: {  	_ =	shalt  }
0x63: {  	_ =	shalt  }
0x64: {  	_ =	shalt  }
0x65: {  	_ =	shalt  }
0x66: {  	_ =	shalt  }
0x67: {  	_ =	shalt  }
0x68: {  	_ =	shalt  }
0x69: {  	_ =	shalt  }
0x6a: {  	_ =	shalt  }
0x6b: {  	_ =	shalt  }
0x6c: {  	_ =	shalt  }
0x6d: {  	_ =	shalt  }
0x6e: {  	_ =	shalt  }
0x6f: {  	_ =	shalt  }
0x70: {  	_ =	shalt  }
0x71: {  	_ =	shalt  }
0x72: {  	_ =	shalt  }
0x73: {  	_ =	shalt  }
0x74: {  	_ =	shalt  }
0x75: {  	_ =	shalt  }
0x76: {  	_ =	shalt  }
0x77: {  	_ =	shalt  }
0x78: {  	_ =	shalt  }
0x79: {  	_ =	shalt  }
0x7a: {  	_ =	shalt  }
0x7b: {  	_ =	shalt  }
0x7c: {  	_ =	shalt  }
0x7d: {  	_ =	shalt  }
0x7e: {  	_ =	shalt  }
0x7f: {  	_ =	shalt  }
0x80: {  	_ =	shalt  }
0x81: {  	_ =	shalt  }
0x82: {  	_ =	shalt  }
0x83: {  	_ =	shalt  }
0x84: {  	_ =	shalt  }
0x85: {  	_ =	shalt  }
0x86: {  	_ =	shalt  }
0x87: {  	_ =	shalt  }
.Lfunc_end0:
.L_simem_size_0:
called_computation.1_lowered:
.L_overlay_start_0:
0x88: {  	s2 =	sld [smem:$0x3FD9]  }
0x89: {  	s3 =	sld [smem:$0x3FFE];
	_ =	sdelay $0x1  }
0x8a: {  	s1 =	srdreg.scid  }
0x8b: {  	s0 =	sand.u32 $0x1, s1  }
0x8c: {  	s17 =	sshll.u32 s0, $0xA;
	s2 =	sadd.s32 s3, s2  }
0x8d: {  	s2 =	sadd.s32 s2, s17  }
0x8e: {  	[smem:$0x3FC6] =	sst s2  }
0x8f: {  	_ = 	snop  }
0x90: {  	s2 =	sld [smem:$0x3FD0];
	(tm) =	ssettm $0x1  }
0x91: {  	s18 =	sld [smem:$0x3FFB];
	_ =	sdelay $0x3  }
0x92: {  	_ =	strace s18  }
0x93: {  	s3 =	sld [smem:$0x3FFC];
	_ =	sdelay $0x3  }
0x94: {  	_ =	strace s3  }
0x95: {  	s3 =	sld [smem:$0x3FFD];
	_ =	sdelay $0x3  }
0x96: {  	_ =	strace s3  }
0x97: {  	_ =	strace $0x8FFFFFFF  }
0x98: {  	s19 =	sld [smem:$0x3FDB];
	_ =	sdelay $0x1  }
0x99: {  	s4 =	simm.s32 $_scs_section_size  }
0x9a: {  	s5 =	simm.s32 $_size__tile_overlayer_lowered;
	s6 =	simm.s32 $_tile_overlayer_lowered  }
0x9b: {  	s22 =	simm.s32 $0x1BFF;
	s21 =	sshll.u32 s6, $0x1;
	s3 =	sadd.s32 s4, s19  }
0x9c: {  	s7 =	simm.s32 $0x0;
	s20 =	sshll.u32 s5, $0x1;
	s5 =	sadd.s32 s21, s3  }
0x9d: {  	[timem:s7], [sflag:s22] =	dma.local [hbm:s5], s20  }
0x9e: {  	_ =	swait.ge [sflag:s22], s20  }
0x9f: {  	s4 =	ssub.s32 $0x0, s20;
	[sflag:s22] =	ssyncset.done $0x0  }
0xa0: {  	[sflag:s22] =	ssyncadd.s32 s4;
	_ =	sdelay $0x1  }
0xa1: {  	s23 =	simm.s32 $0x1B8B  }
0xa2: {  	_ =	swait.ge [sflag:s23], $0x1  }
0xa3: {  	[sflag:s23] =	ssyncset.done $0x0  }
0xa4: {  	s25 =	simm.s32 $0x1B8E;
	s24 =	sld [smem:$0x3FFE];
	[sflag:s23] =	ssyncadd.s32 $0xFFFFFFFF  }
0xa5: {  	s26 =	simm.s32 $execute0_lowered;
	[smem:$0x3FD2] =	sst s25  }
0xa6: {  	s5 =	sshll.u32 s26, $0x1;
	_ =	strace $0x80000046;
	[dreg:$0x1] =	wrdreg $0xFFFFFFFF  }
0xa7: {  	s28 =	simm.s32 $_size_execute0_lowered;
	s3 =	sadd.s32 s3, s5;
	[dreg:$0x0] =	wrdreg $0x0  }
0xa8: {  	s5 =	sshll.u32 s28, $0x1;
	[dreg:$0x2] =	wrdreg s3  }
0xa9: {  	[dreg:$0x3] =	wrdreg s5  }
0xaa: {  	[dreg:$0x4] =	wrdreg $0xC0  }
0xab: {  	_ =	task [dreg:s7], $0x5FFFF  }
0xac: {  	[dreg:$0x1] =	wrdreg $0xFFFFFFFF  }
0xad: {  	[dreg:$0x0] =	wrdreg $0x60  }
0xae: {  	[dreg:$0x2] =	wrdreg s24  }
0xaf: {  	[dreg:$0x3] =	wrdreg s2  }
0xb0: {  	[dreg:$0x4] =	wrdreg $0x9  }
0xb1: {  	_ =	task.clear_ibuf [dreg:s7], $0x5FFFF;
	_ =	strace $0x90000046  }
0xb2: {  	s29 =	simm.s32 $0x9;
	_ =	strace $0x80000048  }
0xb3: {  	_ =	swait.ge [sflag:s29], $0x1  }
0xb4: {  	[sflag:s29] =	ssyncadd.s32 $0xFFFFFFFF  }
0xb5: {  	_ =	strace $0x90000048  }
0xb6: {  	_ =	sfence  }
0xb7: {  	s30 =	sld [smem:$0x0];
	_ =	sdelay $0x2  }
0xb8: {  	s31 =	sshll.u32 s1, $0xD;
	s1 =	sshrl.u32 s1, $0x2  }
0xb9: {  	s3 =	sand.u32 $0x4000, s31;
	s1 =	sadd.s32 s1, s30  }
0xba: {  	s0 =	sor.u32 s3, s0;
	s1 =	sshll.u32 s1, $0x11  }
0xbb: {  	s0 =	sor.u32 s1, s0  }
0xbc: {  	s0 =	sadd.s32 $0x8F2B, s0  }
0xbd: {  	[sflag:s0] =	ssyncadd.remote.s32 $0x1  }
0xbe: {  	_ =	sfence.sel $0xFFFF  }
0xbf: {  	[dreg:$0x0] =	wrdreg $0xFFFFFFFF;
	(pc) =	sbr.abs _section_cstart, $3  }
0xc0: {  	[dreg:$0x1] =	wrdreg $0xFFFFFFFF  }
0xc1: {  	_ =	task.clear_ibuf [dreg:s7], $0x2FFFF;
	_ =	strace $0x9FFFFFFF  }
0xc2: {  	(tm) =	ssettm $0x7FFFFFFF  }
0xc3: {  	_ =	shalt  }
tec
execute0_lowered:
.L_overlay_start_1:
0x0: {  	(tag) =	ssettag $0x1  }
0x1: {  	s0 =	srdreg.scid  }
0x2: {  	s2 =	stileid.u32;
	s5 =	rddreg [dreg:$0x0];
	s3 =	simm.s32 $0x0  }
0x3: {  	s28 =	simm.s32 $0xB;
	s29 =	simm.s32 $0x7;
	s30 =	simm.s32 $0xC  }
0x4: {  	s31 =	simm.s32 $0x8;
	s10 =	simm.s32 $0x6400;
	s12 =	simm.s32 $0x8400  }
0x5: {  	s0 =	sand.u32 $0x1, s0;
	s1 =	sshll.u32 s2, $0x1;
	s6 =	smul.u32 $0x320000, s2  }
0x6: {  	s8 =	smul.u32 $0xC800, s2;
	[smem:$0x7FF] =	sst s3;
	s4 =	sadd.s32 $0xF42E00, s5  }
0x7: {  	s2 =	simm.s32 $0x0;
	s1 =	sor.u32 s0, s1;
	s7 =	smul.u32 $0x190000, s0  }
0x8: {  	s9 =	smul.u32 $0x6400, s0;
	_ =	strace $0x80000047;
	s0 =	ssub.s32 $0x2, s0  }
0x9: {  	s1 =	smul.u32 $0xC80, s1;
	s15 =	sshrl.u32 s0, $0x1;
	s13 =	sadd.s32 s7, s6  }
0xa: {  	s14 =	sadd.s32 s9, s8;
	s0 =	ssub.s32 s0, s15;
	s8 =	simm.s32 $0x80  }
0xb: {  	s15 =	simm.s32 $0xE400;
	s1 =	sadd.s32 s1, s5;
	s16 =	sshrl.u32 s13, $0x3  }
0xc: {  	s6 =	sshll.u32 s14, $0x3;
	s0 =	smax.u32 s0, $0x1;
	[dreg:$0x3] =	wrdreg s16  }
0xd: {  	s20 =	sor.u32 $0xE000, s13;
	s1 =	sadd.s32 $0xA00, s1;
	[dreg:$0xc] =	wrdreg s0  }
0xe: {  	s22 =	sor.u32 $0xC000, s13;
	s17 =	sor.u32 $0xC00, s6;
	[dreg:$0xb] =	wrdreg s1  }
0xf: {  	s24 =	sor.u32 $0xA000, s13;
	s18 =	sor.u32 $0x800, s6;
	[dreg:$0x4] =	wrdreg s17  }
0x10: {  	s5 =	sor.u32 $0x8000, s13;
	s19 =	sor.u32 $0x400, s6;
	[dreg:$0x5] =	wrdreg s18  }
0x11: {  	s14 =	simm.s32 $0xA400;
	s21 =	sshrl.u32 s20, $0x3;
	[dreg:$0x6] =	wrdreg s19  }
0x12: {  	s23 =	sshrl.u32 s22, $0x3;
	s25 =	sshrl.u32 s24, $0x3;
	[dreg:$0x7] =	wrdreg s21  }
0x13: {  	s26 =	sshrl.u32 s5, $0x3;
	s16 =	simm.s32 $0x1;
	[dreg:$0x8] =	wrdreg s23  }
0x14: {  	s20 =	simm.s32 $0x3;
	s22 =	simm.s32 $0x4;
	[dreg:$0x9] =	wrdreg s25  }
0x15: {  	s24 =	simm.s32 $0x5;
	[dreg:$0xa] =	wrdreg s26;
	s17 =	simm.s32 $0x10400  }
0x16: {  	s18 =	simm.s32 $0x2;
	s19 =	simm.s32 $0x12400;
	s21 =	simm.s32 $0x14400  }
0x17: {  	s23 =	simm.s32 $0x9;
	s25 =	simm.s32 $0xA;
	s26 =	simm.s32 $0x6  }
.LBB2_1:
0x18: {  	[dreg:$0xd] =	wrdreg s2  }
0x19: {  	s0 =	rddreg [dreg:$0xb];
	s7 =	simm.s32 $0x11  }
0x1a: {  	[tilespmem:s3], [sflag:$0x11] =	stream.linear.gather [hbm4b:s0+s3], $0x6400, $0x38;
	[tilespmem:$0x16400] =	vst v63  }
0x1b: {  	_ =	swait.ge [sflag:s7], $0x6400  }
0x1c: {  	[sflag:s7] =	ssyncset.done $0x0  }
0x1d: {  	s5 =	simm.s32 $0x6400;
	[sflag:s7] =	ssyncadd.s32 $0xFFFF9C00  }
0x1e: {  	[tilespmem:s5], [sflag:$0x1] =	stream.indirect.gather [hbm4b:s4+s8], $0x40, s3, s8, $0xb8;
	[tilespmem:$0x16400] =	vst v63  }
0x1f: {  	s6 =	simm.s32 $0x8400;
	p0 =	por $0x1, $0x1  }
0x20: {  	[tilespmem:s6], [sflag:$0x2] =	stream.indirect.gather [hbm4b:s4+s8], $0x40, s8, s8, $0xb8;
	[tilespmem:$0x16400] =	vst v63  }
0x21: {  	s9 =	simm.s32 $0x100;
	p0 =	por p0, p0;
	s7 =	simm.s32 $0xA400  }
0x22: {  	[tilespmem:s7], [sflag:$0x3] =	stream.indirect.gather [hbm4b:s4+s8], $0x40, s9, s8, $0xb8;
	[tilespmem:$0x16400] =	vst v63  }
0x23: {  	s11 =	simm.s32 $0x180;
	s0 =	simm.s32 @!p0 $0xD;
	s9 =	simm.s32 $0xC400  }
0x24: {  	[tilespmem:s9], [sflag:$0x4] =	stream.indirect.gather [hbm4b:s4+s8], $0x40, s11, s8, $0xb8;
	[tilespmem:$0x16400] =	vst v63  }
0x25: {  	_ =	swait.ge @!p0 [sflag:s0], $0x2000  }
0x26: {  	[sflag:s0] =	ssyncset.done @!p0 $0x0  }
0x27: {  	s13 =	simm.s32 $0x200;
	[sflag:s0] =	ssyncadd.s32 @!p0 $0xFFFFE000  }
0x28: {  	[tilespmem:s15], [sflag:$0x5] =	stream.indirect.gather [hbm4b:s4+s8], $0x40, s13, s8, $0xb8;
	[tilespmem:$0x16400] =	vst v63  }
0x29: {  	_ =	swait.ge [sflag:s16], $0x2000  }
0x2a: {  	[sflag:s16] =	ssyncset.done $0x0  }
0x2b: {  	s1 =	rddreg [dreg:$0x3];
	[sflag:s16] =	ssyncadd.s32 $0xFFFFE000  }
0x2c: {  	s2 =	rddreg [dreg:$0x1]  }
0x2d: {  	s0 =	sadd.s32 s2, s1;
	s1 =	simm.s32 @!p0 $0xE  }
0x2e: {  	[hbm4b:s0+s3] =	stream.linear.scatter [tilespmem:s5], [sflag:$0x9], $0x2000, $0x38;
	[tilespmem:$0x16400] =	vst v63  }
0x2f: {  	_ =	swait.ge @!p0 [sflag:s1], $0x2000  }
0x30: {  	[sflag:s1] =	ssyncset.done @!p0 $0x0  }
0x31: {  	s5 =	simm.s32 $0x280;
	[sflag:s1] =	ssyncadd.s32 @!p0 $0xFFFFE000  }
0x32: {  	[tilespmem:s17], [sflag:$0x6] =	stream.indirect.gather [hbm4b:s4+s8], $0x40, s5, s8, $0xb8;
	[tilespmem:$0x16400] =	vst v63  }
0x33: {  	_ =	swait.ge [sflag:s18], $0x2000  }
0x34: {  	s11 =	rddreg [dreg:$0x6];
	[sflag:s18] =	ssyncset.done $0x0  }
0x35: {  	s1 =	simm.s32 @!p0 $0xF;
	[sflag:s18] =	ssyncadd.s32 $0xFFFFE000;
	s0 =	sadd.s32 s2, s11  }
0x36: {  	[hbm4b:s0+s3] =	stream.linear.scatter [tilespmem:s6], [sflag:$0xA], $0x2000, $0x38;
	[tilespmem:$0x16400] =	vst v63  }
0x37: {  	_ =	swait.ge @!p0 [sflag:s1], $0x2000  }
0x38: {  	[sflag:s1] =	ssyncset.done @!p0 $0x0  }
0x39: {  	s13 =	simm.s32 $0x300;
	[sflag:s1] =	ssyncadd.s32 @!p0 $0xFFFFE000  }
0x3a: {  	[tilespmem:s19], [sflag:$0x7] =	stream.indirect.gather [hbm4b:s4+s8], $0x40, s13, s8, $0xb8;
	[tilespmem:$0x16400] =	vst v63  }
0x3b: {  	_ =	swait.ge [sflag:s20], $0x2000  }
0x3c: {  	s1 =	rddreg [dreg:$0x5];
	[sflag:s20] =	ssyncset.done $0x0  }
0x3d: {  	[sflag:s20] =	ssyncadd.s32 $0xFFFFE000;
	s0 =	sadd.s32 s2, s1;
	s1 =	simm.s32 @!p0 $0x10  }
0x3e: {  	[hbm4b:s0+s3] =	stream.linear.scatter [tilespmem:s7], [sflag:$0xB], $0x2000, $0x38;
	[tilespmem:$0x16400] =	vst v63  }
0x3f: {  	_ =	swait.ge @!p0 [sflag:s1], $0x2000  }
0x40: {  	[sflag:s1] =	ssyncset.done @!p0 $0x0  }
0x41: {  	s5 =	simm.s32 $0x380;
	[sflag:s1] =	ssyncadd.s32 @!p0 $0xFFFFE000  }
0x42: {  	[tilespmem:s21], [sflag:$0x8] =	stream.indirect.gather [hbm4b:s4+s8], $0x40, s5, s8, $0xb8;
	[tilespmem:$0x16400] =	vst v63  }
0x43: {  	_ =	swait.ge [sflag:s22], $0x2000  }
0x44: {  	s6 =	rddreg [dreg:$0x4];
	[sflag:s22] =	ssyncset.done $0x0  }
0x45: {  	[sflag:s22] =	ssyncadd.s32 $0xFFFFE000;
	s0 =	sadd.s32 s2, s6  }
0x46: {  	[hbm4b:s0+s3] =	stream.linear.scatter [tilespmem:s9], [sflag:$0xC], $0x2000, $0x38;
	[tilespmem:$0x16400] =	vst v63  }
0x47: {  	p0 =	por $0x0, $0x0;
	_ =	swait.ge [sflag:s23], $0x2000  }
0x48: {  	s1 =	simm.s32 @!p0 $0x400;
	[sflag:s23] =	ssyncset.done $0x0  }
0x49: {  	s6 =	simm.s32 @!p0 $0x80;
	s0 =	simm.s32 @!p0 $0x6400;
	[sflag:s23] =	ssyncadd.s32 $0xFFFFE000  }
0x4a: {  	[tilespmem:s0], [sflag:$0x1] =	stream.indirect.gather @!p0 [hbm4b:s4+s6], $0x40, s1, s6, $0xb8;
	[tilespmem:$0x16400] =	vst v63  }
0x4b: {  	_ =	swait.ge [sflag:s24], $0x2000  }
0x4c: {  	s7 =	rddreg [dreg:$0xa];
	[sflag:s24] =	ssyncset.done $0x0  }
0x4d: {  	[sflag:s24] =	ssyncadd.s32 $0xFFFFE000;
	s0 =	sadd.s32 s2, s7  }
0x4e: {  	[hbm4b:s0+s3] =	stream.linear.scatter [tilespmem:s15], [sflag:$0xD], $0x2000, $0x38;
	[tilespmem:$0x16400] =	vst v63  }
0x4f: {  	_ =	swait.ge [sflag:s25], $0x2000  }
0x50: {  	[sflag:s25] =	ssyncset.done $0x0  }
0x51: {  	s1 =	simm.s32 @!p0 $0x8400;
	s0 =	simm.s32 @!p0 $0x480;
	[sflag:s25] =	ssyncadd.s32 $0xFFFFE000  }
0x52: {  	[tilespmem:s1], [sflag:$0x2] =	stream.indirect.gather @!p0 [hbm4b:s4+s6], $0x40, s0, s6, $0xb8;
	[tilespmem:$0x16400] =	vst v63  }
0x53: {  	_ =	swait.ge [sflag:s26], $0x2000  }
0x54: {  	s9 =	rddreg [dreg:$0x9];
	[sflag:s26] =	ssyncset.done $0x0  }
0x55: {  	[sflag:s26] =	ssyncadd.s32 $0xFFFFE000;
	s0 =	sadd.s32 s2, s9  }
0x56: {  	[hbm4b:s0+s3] =	stream.linear.scatter [tilespmem:s17], [sflag:$0xE], $0x2000, $0x38;
	[tilespmem:$0x16400] =	vst v63  }
0x57: {  	_ =	swait.ge [sflag:s28], $0x2000  }
0x58: {  	[sflag:s28] =	ssyncset.done $0x0  }
0x59: {  	s1 =	simm.s32 @!p0 $0xA400;
	s0 =	simm.s32 @!p0 $0x500;
	[sflag:s28] =	ssyncadd.s32 $0xFFFFE000  }
0x5a: {  	[tilespmem:s1], [sflag:$0x3] =	stream.indirect.gather @!p0 [hbm4b:s4+s6], $0x40, s0, s6, $0xb8;
	[tilespmem:$0x16400] =	vst v63  }
0x5b: {  	_ =	swait.ge [sflag:s29], $0x2000  }
0x5c: {  	s11 =	rddreg [dreg:$0x8];
	[sflag:s29] =	ssyncset.done $0x0  }
0x5d: {  	[sflag:s29] =	ssyncadd.s32 $0xFFFFE000;
	s0 =	sadd.s32 s2, s11  }
0x5e: {  	[hbm4b:s0+s3] =	stream.linear.scatter [tilespmem:s19], [sflag:$0xF], $0x2000, $0x38;
	[tilespmem:$0x16400] =	vst v63  }
0x5f: {  	_ =	swait.ge [sflag:s30], $0x2000  }
0x60: {  	p6 =	por $0x0, $0x0;
	[sflag:s30] =	ssyncset.done $0x0  }
0x61: {  	s1 =	simm.s32 @!p0 $0xC400;
	s0 =	simm.s32 @!p0 $0x580;
	[sflag:s30] =	ssyncadd.s32 $0xFFFFE000  }
0x62: {  	[tilespmem:s1], [sflag:$0x4] =	stream.indirect.gather @!p0 [hbm4b:s4+s6], $0x40, s0, s6, $0xb8;
	[tilespmem:$0x16400] =	vst v63  }
0x63: {  	s7 =	simm.s32 $0x1000;
	s1 =	simm.s32 $0x2000;
	_ =	swait.ge [sflag:s31], $0x2000  }
0x64: {  	p0 =	por p6, p6;
	s13 =	rddreg [dreg:$0x7];
	[sflag:s31] =	ssyncset.done $0x0  }
0x65: {  	s6 =	sadd.s32 $0x2000, s2;
	[sflag:s31] =	ssyncadd.s32 $0xFFFFE000;
	s0 =	sadd.s32 s2, s13  }
.LBB2_2:
0x66: {  	[hbm4b:s0+s3] =	stream.linear.scatter [tilespmem:s21], [sflag:$0x10], $0x2000, $0x38;
	[tilespmem:$0x16400] =	vst v63  }
0x67: {  	s13 =	simm.s32 @!p0 $0xD  }
0x68: {  	_ =	swait.ge @!p0 [sflag:s13], $0x2000  }
0x69: {  	s11 =	sshra.s32 s7, $0x2;
	[sflag:s13] =	ssyncset.done @!p0 $0x0  }
0x6a: {  	s2 =	sadd.s32 $0x200, s11;
	[sflag:s13] =	ssyncadd.s32 @!p0 $0xFFFFE000  }
0x6b: {  	[tilespmem:s15], [sflag:$0x5] =	stream.indirect.gather [hbm4b:s4+s8], $0x40, s2, s8, $0xb8;
	[tilespmem:$0x16400] =	vst v63  }
0x6c: {  	_ =	swait.ge [sflag:s16], $0x2000  }
0x6d: {  	s5 =	rddreg [dreg:$0x3];
	[sflag:s16] =	ssyncset.done $0x0  }
0x6e: {  	s2 =	simm.s32 @!p0 $0xE;
	[sflag:s16] =	ssyncadd.s32 $0xFFFFE000;
	s13 =	sadd.s32 s6, s5  }
0x6f: {  	[hbm4b:s13+s3] =	stream.linear.scatter [tilespmem:s10], [sflag:$0x9], $0x2000, $0x38;
	[tilespmem:$0x16400] =	vst v63  }
0x70: {  	_ =	swait.ge @!p0 [sflag:s2], $0x2000  }
0x71: {  	[sflag:s2] =	ssyncset.done @!p0 $0x0  }
0x72: {  	s9 =	sadd.s32 $0x280, s11;
	[sflag:s2] =	ssyncadd.s32 @!p0 $0xFFFFE000  }
0x73: {  	[tilespmem:s17], [sflag:$0x6] =	stream.indirect.gather [hbm4b:s4+s8], $0x40, s9, s8, $0xb8;
	[tilespmem:$0x16400] =	vst v63  }
0x74: {  	_ =	swait.ge [sflag:s18], $0x2000  }
0x75: {  	s13 =	rddreg [dreg:$0x6];
	[sflag:s18] =	ssyncset.done $0x0  }
0x76: {  	[sflag:s18] =	ssyncadd.s32 $0xFFFFE000;
	s2 =	sadd.s32 s6, s13;
	s13 =	simm.s32 @!p0 $0xF  }
0x77: {  	[hbm4b:s2+s3] =	stream.linear.scatter [tilespmem:s12], [sflag:$0xA], $0x2000, $0x38;
	[tilespmem:$0x16400] =	vst v63  }
0x78: {  	_ =	swait.ge @!p0 [sflag:s13], $0x2000  }
0x79: {  	[sflag:s13] =	ssyncset.done @!p0 $0x0  }
0x7a: {  	s5 =	sadd.s32 $0x300, s11;
	[sflag:s13] =	ssyncadd.s32 @!p0 $0xFFFFE000  }
0x7b: {  	[tilespmem:s19], [sflag:$0x7] =	stream.indirect.gather [hbm4b:s4+s8], $0x40, s5, s8, $0xb8;
	[tilespmem:$0x16400] =	vst v63  }
0x7c: {  	_ =	swait.ge [sflag:s20], $0x2000  }
0x7d: {  	s9 =	rddreg [dreg:$0x5];
	[sflag:s20] =	ssyncset.done $0x0  }
0x7e: {  	s13 =	simm.s32 @!p0 $0x10;
	[sflag:s20] =	ssyncadd.s32 $0xFFFFE000;
	s2 =	sadd.s32 s6, s9  }
0x7f: {  	[hbm4b:s2+s3] =	stream.linear.scatter [tilespmem:s14], [sflag:$0xB], $0x2000, $0x38;
	[tilespmem:$0x16400] =	vst v63  }
0x80: {  	_ =	swait.ge @!p0 [sflag:s13], $0x2000  }
0x81: {  	[sflag:s13] =	ssyncset.done @!p0 $0x0  }
0x82: {  	[sflag:s13] =	ssyncadd.s32 @!p0 $0xFFFFE000;
	s13 =	sadd.s32 $0x380, s11  }
0x83: {  	[tilespmem:s21], [sflag:$0x8] =	stream.indirect.gather [hbm4b:s4+s8], $0x40, s13, s8, $0xb8;
	[tilespmem:$0x16400] =	vst v63  }
0x84: {  	s0 =	smov.u32 s1;
	_ =	swait.ge [sflag:s22], $0x2000  }
0x85: {  	p2 =	seq.s32 s0, $0x0;
	s5 =	rddreg [dreg:$0x4];
	[sflag:s22] =	ssyncset.done $0x0  }
0x86: {  	[sflag:s22] =	ssyncadd.s32 $0xFFFFE000;
	s2 =	sadd.s32 s6, s5;
	s5 =	simm.s32 $0xC400  }
0x87: {  	[hbm4b:s2+s3] =	stream.linear.scatter [tilespmem:s5], [sflag:$0xC], $0x2000, $0x38;
	[tilespmem:$0x16400] =	vst v63  }
0x88: {  	p0 =	por p2, p2;
	p2 =	seq.s32 s7, $0x18000;
	_ =	swait.ge [sflag:s23], $0x2000  }
0x89: {  	s11 =	simm.s32 @!p2 $0x80;
	s2 =	sshra.s32 @!p2 s7, $0x2;
	[sflag:s23] =	ssyncset.done $0x0  }
0x8a: {  	s7 =	simm.s32 @!p2 $0x6400;
	s13 =	sadd.s32 @!p2 $0x400, s2;
	[sflag:s23] =	ssyncadd.s32 $0xFFFFE000  }
0x8b: {  	[tilespmem:s7], [sflag:$0x1] =	stream.indirect.gather @!p2 [hbm4b:s4+s11], $0x40, s13, s11, $0xb8;
	[tilespmem:$0x16400] =	vst v63  }
0x8c: {  	_ =	swait.ge [sflag:s24], $0x2000  }
0x8d: {  	s9 =	rddreg [dreg:$0xa];
	[sflag:s24] =	ssyncset.done $0x0  }
0x8e: {  	[sflag:s24] =	ssyncadd.s32 $0xFFFFE000;
	s9 =	sadd.s32 s6, s9  }
0x8f: {  	[hbm4b:s9+s3] =	stream.linear.scatter [tilespmem:s15], [sflag:$0xD], $0x2000, $0x38;
	[tilespmem:$0x16400] =	vst v63  }
0x90: {  	_ =	swait.ge [sflag:s25], $0x2000  }
0x91: {  	s13 =	sadd.s32 @!p2 $0x480, s2;
	[sflag:s25] =	ssyncset.done $0x0  }
0x92: {  	s7 =	smov.u32 s0;
	s0 =	simm.s32 @!p2 $0x8400;
	[sflag:s25] =	ssyncadd.s32 $0xFFFFE000  }
0x93: {  	[tilespmem:s0], [sflag:$0x2] =	stream.indirect.gather @!p2 [hbm4b:s4+s11], $0x40, s13, s11, $0xb8;
	[tilespmem:$0x16400] =	vst v63  }
0x94: {  	_ =	swait.ge [sflag:s26], $0x2000  }
0x95: {  	s13 =	rddreg [dreg:$0x9];
	[sflag:s26] =	ssyncset.done $0x0  }
0x96: {  	[sflag:s26] =	ssyncadd.s32 $0xFFFFE000;
	s0 =	sadd.s32 s6, s13  }
0x97: {  	[hbm4b:s0+s3] =	stream.linear.scatter [tilespmem:s17], [sflag:$0xE], $0x2000, $0x38;
	[tilespmem:$0x16400] =	vst v63  }
0x98: {  	_ =	swait.ge [sflag:s28], $0x2000  }
0x99: {  	[sflag:s28] =	ssyncset.done $0x0  }
0x9a: {  	s5 =	sadd.s32 @!p2 $0x500, s2;
	s0 =	simm.s32 @!p2 $0xA400;
	[sflag:s28] =	ssyncadd.s32 $0xFFFFE000  }
0x9b: {  	[tilespmem:s0], [sflag:$0x3] =	stream.indirect.gather @!p2 [hbm4b:s4+s11], $0x40, s5, s11, $0xb8;
	[tilespmem:$0x16400] =	vst v63  }
0x9c: {  	_ =	swait.ge [sflag:s29], $0x2000  }
0x9d: {  	s9 =	rddreg [dreg:$0x8];
	[sflag:s29] =	ssyncset.done $0x0  }
0x9e: {  	[sflag:s29] =	ssyncadd.s32 $0xFFFFE000;
	s0 =	sadd.s32 s6, s9  }
0x9f: {  	[hbm4b:s0+s3] =	stream.linear.scatter [tilespmem:s19], [sflag:$0xF], $0x2000, $0x38;
	[tilespmem:$0x16400] =	vst v63  }
0xa0: {  	s1 =	sadd.s32 $0x1000, s1;
	_ =	swait.ge [sflag:s30], $0x2000  }
0xa1: {  	p1 =	sne.s32 s1, $0x19000;
	s2 =	sadd.s32 @!p2 $0x580, s2;
	[sflag:s30] =	ssyncset.done $0x0  }
.Ltmp0:
0xa2: {  	s0 =	simm.s32 @!p2 $0xC400;
	[sflag:s30] =	ssyncadd.s32 $0xFFFFE000;
	(pc) =	sbr.rel @p1 .LBB2_2-.Ltmp0, $4  }
0xa3: {  	[tilespmem:s0], [sflag:$0x4] =	stream.indirect.gather @!p2 [hbm4b:s4+s11], $0x40, s2, s11, $0xb8;
	[tilespmem:$0x16400] =	vst v63  }
0xa4: {  	_ =	swait.ge [sflag:s31], $0x2000  }
0xa5: {  	[sflag:s31] =	ssyncset.done $0x0;
	s13 =	rddreg [dreg:$0x7]  }
0xa6: {  	[sflag:s31] =	ssyncadd.s32 $0xFFFFE000;
	s0 =	sadd.s32 s6, s13;
	s6 =	sadd.s32 $0x2000, s6  }
0xa7: {  	[hbm4b:s0+s3] =	stream.linear.scatter [tilespmem:s21], [sflag:$0x10], $0x2000, $0x38;
	[tilespmem:$0x16400] =	vst v63  }
0xa8: {  	s0 =	simm.s32 @!p0 $0xD  }
0xa9: {  	_ =	swait.ge @!p0 [sflag:s0], $0x2000  }
0xaa: {  	s1 =	sshra.s32 s7, $0x2;
	[sflag:s0] =	ssyncset.done @!p0 $0x0  }
0xab: {  	s13 =	sadd.s32 $0x200, s1;
	[sflag:s0] =	ssyncadd.s32 @!p0 $0xFFFFE000  }
0xac: {  	[tilespmem:s15], [sflag:$0x5] =	stream.indirect.gather [hbm4b:s4+s8], $0x40, s13, s8, $0xb8;
	[tilespmem:$0x16400] =	vst v63  }
0xad: {  	_ =	swait.ge [sflag:s16], $0x2000  }
0xae: {  	s2 =	rddreg [dreg:$0x3];
	[sflag:s16] =	ssyncset.done $0x0  }
0xaf: {  	[sflag:s16] =	ssyncadd.s32 $0xFFFFE000;
	s0 =	sadd.s32 s6, s2;
	s2 =	simm.s32 @!p0 $0xE  }
0xb0: {  	[hbm4b:s0+s3] =	stream.linear.scatter [tilespmem:s10], [sflag:$0x9], $0x2000, $0x38;
	[tilespmem:$0x16400] =	vst v63  }
0xb1: {  	_ =	swait.ge @!p0 [sflag:s2], $0x2000  }
0xb2: {  	[sflag:s2] =	ssyncset.done @!p0 $0x0  }
0xb3: {  	s5 =	sadd.s32 $0x280, s1;
	[sflag:s2] =	ssyncadd.s32 @!p0 $0xFFFFE000  }
0xb4: {  	[tilespmem:s17], [sflag:$0x6] =	stream.indirect.gather [hbm4b:s4+s8], $0x40, s5, s8, $0xb8;
	[tilespmem:$0x16400] =	vst v63  }
0xb5: {  	_ =	swait.ge [sflag:s18], $0x2000  }
0xb6: {  	s9 =	rddreg [dreg:$0x6];
	[sflag:s18] =	ssyncset.done $0x0  }
0xb7: {  	s2 =	simm.s32 @!p0 $0xF;
	[sflag:s18] =	ssyncadd.s32 $0xFFFFE000;
	s0 =	sadd.s32 s6, s9  }
0xb8: {  	[hbm4b:s0+s3] =	stream.linear.scatter [tilespmem:s12], [sflag:$0xA], $0x2000, $0x38;
	[tilespmem:$0x16400] =	vst v63  }
0xb9: {  	_ =	swait.ge @!p0 [sflag:s2], $0x2000  }
0xba: {  	[sflag:s2] =	ssyncset.done @!p0 $0x0  }
0xbb: {  	s11 =	sadd.s32 $0x300, s1;
	[sflag:s2] =	ssyncadd.s32 @!p0 $0xFFFFE000  }
0xbc: {  	[tilespmem:s19], [sflag:$0x7] =	stream.indirect.gather [hbm4b:s4+s8], $0x40, s11, s8, $0xb8;
	[tilespmem:$0x16400] =	vst v63  }
0xbd: {  	_ =	swait.ge [sflag:s20], $0x2000  }
0xbe: {  	s13 =	rddreg [dreg:$0x5];
	[sflag:s20] =	ssyncset.done $0x0  }
0xbf: {  	s2 =	simm.s32 @!p0 $0x10;
	[sflag:s20] =	ssyncadd.s32 $0xFFFFE000;
	s0 =	sadd.s32 s6, s13  }
0xc0: {  	[hbm4b:s0+s3] =	stream.linear.scatter [tilespmem:s14], [sflag:$0xB], $0x2000, $0x38;
	[tilespmem:$0x16400] =	vst v63  }
0xc1: {  	_ =	swait.ge @!p0 [sflag:s2], $0x2000  }
0xc2: {  	[sflag:s2] =	ssyncset.done @!p0 $0x0  }
0xc3: {  	s1 =	sadd.s32 $0x380, s1;
	[sflag:s2] =	ssyncadd.s32 @!p0 $0xFFFFE000  }
0xc4: {  	[tilespmem:s21], [sflag:$0x8] =	stream.indirect.gather [hbm4b:s4+s8], $0x40, s1, s8, $0xb8;
	[tilespmem:$0x16400] =	vst v63  }
0xc5: {  	_ =	swait.ge [sflag:s22], $0x2000  }
0xc6: {  	s2 =	rddreg [dreg:$0x4];
	[sflag:s22] =	ssyncset.done $0x0  }
0xc7: {  	s5 =	simm.s32 $0xC400;
	[sflag:s22] =	ssyncadd.s32 $0xFFFFE000;
	s0 =	sadd.s32 s6, s2  }
0xc8: {  	[hbm4b:s0+s3] =	stream.linear.scatter [tilespmem:s5], [sflag:$0xC], $0x2000, $0x38;
	[tilespmem:$0x16400] =	vst v63  }
0xc9: {  	p0 =	seq.s32 s7, $0x18000;
	_ =	swait.ge [sflag:s23], $0x2000  }
0xca: {  	s1 =	simm.s32 @!p0 $0x6400;
	s0 =	sshra.s32 @!p0 s7, $0x2;
	[sflag:s23] =	ssyncset.done $0x0  }
0xcb: {  	s5 =	simm.s32 @!p0 $0x80;
	s2 =	sadd.s32 @!p0 $0x400, s0;
	[sflag:s23] =	ssyncadd.s32 $0xFFFFE000  }
0xcc: {  	[tilespmem:s1], [sflag:$0x1] =	stream.indirect.gather @!p0 [hbm4b:s4+s5], $0x40, s2, s5, $0xb8;
	[tilespmem:$0x16400] =	vst v63  }
0xcd: {  	_ =	swait.ge [sflag:s24], $0x2000  }
0xce: {  	s9 =	rddreg [dreg:$0xa];
	[sflag:s24] =	ssyncset.done $0x0  }
0xcf: {  	[sflag:s24] =	ssyncadd.s32 $0xFFFFE000;
	s1 =	sadd.s32 s6, s9  }
0xd0: {  	[hbm4b:s1+s3] =	stream.linear.scatter [tilespmem:s15], [sflag:$0xD], $0x2000, $0x38;
	[tilespmem:$0x16400] =	vst v63  }
0xd1: {  	_ =	swait.ge [sflag:s25], $0x2000  }
0xd2: {  	[sflag:s25] =	ssyncset.done $0x0  }
0xd3: {  	s2 =	simm.s32 @!p0 $0x8400;
	s1 =	sadd.s32 @!p0 $0x480, s0;
	[sflag:s25] =	ssyncadd.s32 $0xFFFFE000  }
0xd4: {  	[tilespmem:s2], [sflag:$0x2] =	stream.indirect.gather @!p0 [hbm4b:s4+s5], $0x40, s1, s5, $0xb8;
	[tilespmem:$0x16400] =	vst v63  }
0xd5: {  	_ =	swait.ge [sflag:s26], $0x2000  }
0xd6: {  	s11 =	rddreg [dreg:$0x9];
	[sflag:s26] =	ssyncset.done $0x0  }
0xd7: {  	[sflag:s26] =	ssyncadd.s32 $0xFFFFE000;
	s1 =	sadd.s32 s6, s11  }
0xd8: {  	[hbm4b:s1+s3] =	stream.linear.scatter [tilespmem:s17], [sflag:$0xE], $0x2000, $0x38;
	[tilespmem:$0x16400] =	vst v63  }
0xd9: {  	_ =	swait.ge [sflag:s28], $0x2000  }
0xda: {  	[sflag:s28] =	ssyncset.done $0x0  }
0xdb: {  	s2 =	simm.s32 @!p0 $0xA400;
	s1 =	sadd.s32 @!p0 $0x500, s0;
	[sflag:s28] =	ssyncadd.s32 $0xFFFFE000  }
0xdc: {  	[tilespmem:s2], [sflag:$0x3] =	stream.indirect.gather @!p0 [hbm4b:s4+s5], $0x40, s1, s5, $0xb8;
	[tilespmem:$0x16400] =	vst v63  }
0xdd: {  	_ =	swait.ge [sflag:s29], $0x2000  }
0xde: {  	s13 =	rddreg [dreg:$0x8];
	[sflag:s29] =	ssyncset.done $0x0  }
0xdf: {  	[sflag:s29] =	ssyncadd.s32 $0xFFFFE000;
	s1 =	sadd.s32 s6, s13  }
0xe0: {  	[hbm4b:s1+s3] =	stream.linear.scatter [tilespmem:s19], [sflag:$0xF], $0x2000, $0x38;
	[tilespmem:$0x16400] =	vst v63  }
0xe1: {  	_ =	swait.ge [sflag:s30], $0x2000  }
0xe2: {  	[sflag:s30] =	ssyncset.done $0x0  }
0xe3: {  	s0 =	sadd.s32 @!p0 $0x580, s0;
	s1 =	simm.s32 @!p0 $0xC400;
	[sflag:s30] =	ssyncadd.s32 $0xFFFFE000  }
0xe4: {  	[tilespmem:s1], [sflag:$0x4] =	stream.indirect.gather @!p0 [hbm4b:s4+s5], $0x40, s0, s5, $0xb8;
	[tilespmem:$0x16400] =	vst v63  }
0xe5: {  	_ =	swait.ge [sflag:s31], $0x2000  }
0xe6: {  	s2 =	rddreg [dreg:$0x7];
	[sflag:s31] =	ssyncset.done $0x0  }
0xe7: {  	s5 =	simm.s32 $0xD;
	s0 =	sadd.s32 s6, s2;
	[sflag:s31] =	ssyncadd.s32 $0xFFFFE000  }
0xe8: {  	[hbm4b:s0+s3] =	stream.linear.scatter [tilespmem:s21], [sflag:$0x10], $0x2000, $0x38;
	[tilespmem:$0x16400] =	vst v63  }
0xe9: {  	_ =	swait.ge [sflag:s5], $0x2000  }
0xea: {  	[sflag:s5] =	ssyncset.done $0x0  }
0xeb: {  	s6 =	simm.s32 $0xE;
	[sflag:s5] =	ssyncadd.s32 $0xFFFFE000  }
0xec: {  	_ =	swait.ge [sflag:s6], $0x2000  }
0xed: {  	[sflag:s6] =	ssyncset.done $0x0  }
0xee: {  	s7 =	simm.s32 $0xF;
	[sflag:s6] =	ssyncadd.s32 $0xFFFFE000  }
0xef: {  	_ =	swait.ge [sflag:s7], $0x2000  }
0xf0: {  	[sflag:s7] =	ssyncset.done $0x0  }
0xf1: {  	s9 =	simm.s32 $0x10;
	[sflag:s7] =	ssyncadd.s32 $0xFFFFE000  }
0xf2: {  	_ =	swait.ge [sflag:s9], $0x2000  }
0xf3: {  	s11 =	rddreg [dreg:$0xd]  }
0xf4: {  	s13 =	rddreg [dreg:$0xc];
	s2 =	sadd.s32 $0x1, s11  }
0xf5: {  	p0 =	sne.s32 s2, s13  }
.Ltmp1:
0xf6: {  	_ = 	snop;
	(pc) =	sbr.rel @p0 .LBB2_1-.Ltmp1, $3  }
0xf7: {  	_ =	sdelay $0x1  }
0xf8: {  	[sflag:s9] =	ssyncset.done $0x0  }
0xf9: {  	[sflag:s9] =	ssyncadd.s32 $0xFFFFE000  }
0xfa: {  	_ =	sfence.sel $0x180000  }
0xfb: {  	[bflag:$0x0] =	sbarrier.arrive $0xFFFF  }
0xfc: {  	_ =	strace $0x90000047  }
0xfd: {  	s0 =	stileid.u32;
	[bflag:$0x2] =	sbarrier.arrive $0xFFFF  }
0xfe: {  	p0 =	sne.s32 s0, $0x0;
	s0 =	rddreg [dreg:$0x2]  }
0xff: {  	s0 =	sadd.s32 @!p0 $0x100000, s0  }
0x100: {  	[sflag:s0] =	ssyncadd.tile.s32 @!p0 $0x1;
	_ =	shalt  }
.Lfunc_end2:
_tile_overlayer_lowered:
.L_overlay_start_2:
0x101: {  	(tag) =	ssettag $0x2  }
0x102: {  	s0 =	rddreg [dreg:$0x0];
	s2 =	stileid.u32  }
0x103: {  	s1 =	rddreg [dreg:$0x1];
	p0 =	sne.s32 s2, $0x0  }
0x104: {  	s3 =	rddreg [dreg:$0x2];
	[bflag:$0x3] =	sbarrier.arrive $0xFFFF;
	s2 =	simm.s32 @!p0 $0x1C11  }
0x105: {  	[timem:s3], [sflag:s2] =	dma.local @!p0 [hbm:s0], s1  }
0x106: {  	s0 =	simm.s32 @!p0 $0x11  }
0x107: {  	_ =	swait.ge @!p0 [sflag:s0], s1  }
0x108: {  	s1 =	ssub.s32 @!p0 $0x0, s1;
	[sflag:s0] =	ssyncset.done @!p0 $0x0  }
0x109: {  	[sflag:s0] =	ssyncadd.s32 @!p0 s1  }
0x10a: {  	[bflag:$0x3] =	sbarrier.arrive $0xFFFF  }
0x10b: {  	_ =	shalt  }

// kernel: sparse-core-data-format-call.cloned.1.call-start
scs
called_computation_lowered:
.L_overlay_start_0:
0x0: {  	s2 =	sld [smem:$0x3FD9]  }
0x1: {  	s3 =	sld [smem:$0x3FFE];
	_ =	sdelay $0x1  }
0x2: {  	s1 =	srdreg.scid  }
0x3: {  	s0 =	sand.u32 $0x1, s1  }
0x4: {  	s18 =	sshll.u32 s0, $0xA;
	s2 =	sadd.s32 s3, s2  }
0x5: {  	s2 =	sadd.s32 s2, s18  }
0x6: {  	[smem:$0x3FC6] =	sst s2  }
0x7: {  	_ = 	snop  }
0x8: {  	s2 =	sld [smem:$0x3FD0];
	(tm) =	ssettm $0x1  }
0x9: {  	s19 =	sld [smem:$0x3FFB];
	_ =	sdelay $0x3  }
0xa: {  	_ =	strace s19  }
0xb: {  	s3 =	sld [smem:$0x3FFC];
	_ =	sdelay $0x3  }
0xc: {  	_ =	strace s3  }
0xd: {  	s3 =	sld [smem:$0x3FFD];
	_ =	sdelay $0x3  }
0xe: {  	_ =	strace s3  }
0xf: {  	_ =	strace $0x8FFFFFFF  }
0x10: {  	s20 =	sld [smem:$0x3FDB];
	_ =	sdelay $0x1  }
0x11: {  	s4 =	simm.s32 $_scs_section_size  }
0x12: {  	s5 =	simm.s32 $_size__tile_overlayer_lowered;
	s6 =	simm.s32 $_tile_overlayer_lowered  }
0x13: {  	s23 =	simm.s32 $0x1BFF;
	s22 =	sshll.u32 s6, $0x1;
	s3 =	sadd.s32 s4, s20  }
0x14: {  	s7 =	simm.s32 $0x0;
	s21 =	sshll.u32 s5, $0x1;
	s5 =	sadd.s32 s22, s3  }
0x15: {  	[timem:s7], [sflag:s23] =	dma.local [hbm:s5], s21  }
0x16: {  	_ =	swait.ge [sflag:s23], s21  }
0x17: {  	s4 =	ssub.s32 $0x0, s21;
	[sflag:s23] =	ssyncset.done $0x0  }
0x18: {  	[sflag:s23] =	ssyncadd.s32 s4;
	_ =	sdelay $0x1  }
0x19: {  	s24 =	simm.s32 $0x1B8B  }
0x1a: {  	_ =	swait.ge [sflag:s24], $0x1  }
0x1b: {  	[sflag:s24] =	ssyncset.done $0x0  }
0x1c: {  	s26 =	simm.s32 $0x1B8E;
	s25 =	sld [smem:$0x3FFE];
	[sflag:s24] =	ssyncadd.s32 $0xFFFFFFFF  }
0x1d: {  	s27 =	simm.s32 $execute0_lowered;
	[smem:$0x3FD2] =	sst s26  }
0x1e: {  	s5 =	sshll.u32 s27, $0x1;
	_ =	strace $0x80000049;
	[dreg:$0x1] =	wrdreg $0xFFFFFFFF  }
0x1f: {  	s28 =	simm.s32 $_size_execute0_lowered;
	s3 =	sadd.s32 s3, s5;
	[dreg:$0x0] =	wrdreg $0x0  }
0x20: {  	s5 =	sshll.u32 s28, $0x1;
	[dreg:$0x2] =	wrdreg s3  }
0x21: {  	[dreg:$0x3] =	wrdreg s5  }
0x22: {  	[dreg:$0x4] =	wrdreg $0xC0  }
0x23: {  	_ =	task [dreg:s7], $0x5FFFF  }
0x24: {  	[dreg:$0x1] =	wrdreg $0xFFFFFFFF  }
0x25: {  	[dreg:$0x0] =	wrdreg $0x60  }
0x26: {  	[dreg:$0x2] =	wrdreg s25  }
0x27: {  	[dreg:$0x3] =	wrdreg s2  }
0x28: {  	[dreg:$0x4] =	wrdreg $0x9  }
0x29: {  	_ =	task.clear_ibuf [dreg:s7], $0x5FFFF;
	_ =	strace $0x90000049  }
0x2a: {  	s29 =	simm.s32 $0x9;
	_ =	strace $0x8000004B  }
0x2b: {  	_ =	swait.ge [sflag:s29], $0x1  }
0x2c: {  	[sflag:s29] =	ssyncadd.s32 $0xFFFFFFFF  }
0x2d: {  	_ =	strace $0x9000004B  }
0x2e: {  	_ =	sfence  }
0x2f: {  	s30 =	sld [smem:$0x0];
	_ =	sdelay $0x2  }
0x30: {  	s31 =	sshll.u32 s1, $0xD;
	s1 =	sshrl.u32 s1, $0x2  }
0x31: {  	s3 =	sand.u32 $0x4000, s31;
	s1 =	sadd.s32 s1, s30  }
0x32: {  	s0 =	sor.u32 s3, s0;
	s1 =	sshll.u32 s1, $0x11  }
0x33: {  	s0 =	sor.u32 s1, s0  }
0x34: {  	s0 =	sadd.s32 $0x8F2B, s0  }
0x35: {  	[sflag:s0] =	ssyncadd.remote.s32 $0x1  }
0x36: {  	_ =	sfence.sel $0xFFFF  }
0x37: {  	[dreg:$0x0] =	wrdreg $0xFFFFFFFF;
	(pc) =	sbr.abs _section_cstart, $3  }
0x38: {  	[dreg:$0x1] =	wrdreg $0xFFFFFFFF  }
0x39: {  	_ =	task.clear_ibuf [dreg:s7], $0x2FFFF;
	_ =	strace $0x9FFFFFFF  }
0x3a: {  	(tm) =	ssettm $0x7FFFFFFF  }
0x3b: {  	_ =	shalt  }
tec
execute0_lowered:
.L_overlay_start_1:
0x0: {  	(tag) =	ssettag $0x1  }
0x1: {  	s0 =	srdreg.scid  }
0x2: {  	s1 =	sshll.u32 s0, $0x4  }
0x3: {  	s0 =	stileid.u32;
	s1 =	sand.u32 $0x10, s1  }
0x4: {  	s1 =	sor.u32 s0, s1  }
0x5: {  	s6 =	rddreg [dreg:$0x0];
	s4 =	simm.s32 $0x1;
	s2 =	sshll.u32 s1, $0x7  }
0x6: {  	s7 =	simm.s32 $0x2;
	s12 =	simm.s32 $0x0;
	s1 =	ssub.s32 $0x4000, s2  }
0x7: {  	s8 =	simm.s32 $0x20000;
	s13 =	simm.s32 $0x0;
	s3 =	sand.u32 $0xF80, s1  }
0x8: {  	s9 =	simm.s32 $0x0;
	s5 =	sshrl.u32 s1, $0xC;
	p0 =	sne.s32 s3, $0x0  }
.Ltmp0:
0x9: {  	s1 =	rddreg [dreg:$0x2];
	s4 =	simm.s32 @!p0 $0x0;
	(pc) =	sbr.rel .LBB1_1-.Ltmp0, $4  }
0xa: {  	s11 =	simm.s32 $0x0;
	s3 =	rddreg [dreg:$0x1];
	s5 =	sadd.s32 s4, s5  }
0xb: {  	_ =	strace $0x8000004A;
	s4 =	simm.s32 $0x1;
	s5 =	smul.u32 $0x32, s5  }
0xc: {  	s6 =	sadd.s32 $0xA00, s6;
	s10 =	smov.u32 s2;
	[sflag:s4] =	ssyncpa.u1 $0x0  }
0xd: {  	p0 =	por $0x0, $0x0;
	[sflag:s7] =	ssyncpa.u1 $0x0;
	s7 =	sor.u32 $0x1, s5  }
.LBB1_4:
0xe: {  	s16 =	sshll.u32 s13, $0x3;
	s17 =	sand.u32 $0x78, s13  }
0xf: {  	s30 =	sand.u32 $0x1F800, s13;
	s12 =	sshll.u32 s12, $0x11;
	s16 =	sand.u32 $0x3C00, s16  }
0x10: {  	[tilespmem:s15+$0x810 ss:$0x81] =	vst.msk $0xffff, v2;
	s31 =	sand.u32 $0x7, s13;
	s16 =	sor.u32 s17, s16;
	s17 =	sadd.s32 s3, s30  }
0x11: {  	[tilespmem:s15+$0x1020 ss:$0x81] =	vst.msk $0xffff, v0;
	s13 =	sshll.u32 s31, $0x12;
	s12 =	sadd.s32 s12, s17;
	s16 =	sshrl.u32 s16, $0x3  }
0x12: {  	[tilespmem:s15+$0x0 ss:$0x81] =	vst.msk $0xffff, v1;
	s13 =	sor.u32 $0x400, s13;
	s12 =	sadd.s32 s16, s12  }
0x13: {  	[hbm4b:s12+s13] =	stream.strided.scatter [tilespmem:s14], [sflag:$0x2], $0x2000, s8, s13, $0x20;
	[tilespmem:$0x8080] =	vst v63  }
.LBB1_5:
0x14: {  	s14 =	sadd.s32 $0x1, s9  }
0x15: {  	s12 =	sadd.s32 $0x1000, s10;
	s16 =	smov.u32 s10;
	p2 =	sgt.s32 s14, $0x31  }
0x16: {  	s16 =	smov.u32 @p2 s12  }
0x17: {  	s14 =	simm.s32 @p2 $0x0;
	p2 =	sgt.s32 s16, $0x3FFF  }
0x18: {  	s16 =	smov.u32 @p2 s2;
	p2 =	sne.s32 s11, s7  }
.Ltmp1:
0x19: {  	p1 =	slt.u32 s11, $0x2;
	(pc) =	sbr.rel @!p2 .LBB1_6-.Ltmp1, $4  }
0x1a: {  	s15 =	simm.s32 @!p1 $0x2  }
0x1b: {  	s13 =	smov.u32 s10;
	p0 =	por !p0, !p0;
	_ =	swait.ge @!p1 [sflag:s15], $0x2000  }
0x1c: {  	s12 =	smov.u32 s9;
	[sflag:s15] =	ssyncset.done @!p1 $0x0;
	s9 =	smov.u32 s14  }
0x1d: {  	s11 =	sadd.s32 $0x1, s11;
	[sflag:s15] =	ssyncadd.s32 @!p1 $0xFFFFE000;
	s10 =	smov.u32 s16  }
.LBB1_1:
0x1e: {  	p1 =	sge.u32 s11, s5  }
0x1f: {  	s14 =	sand.u32 @!p1 $0x1FFFFFF, s9  }
0x20: {  	s15 =	smulhi.u32 @!p1 $0x4924925, s14;
	_ =	sdelay $0x1  }
0x21: {  	s15 =	smul.u32 @!p1 $0x38, s15  }
0x22: {  	s16 =	sxor.u32 @!p1 $0xFFFFFFFF, s11;
	s17 =	smul.u32 @!p1 $0x380, s10  }
0x23: {  	s31 =	sadd.s32 $0xFFFFFFFF, s11;
	s16 =	sshll.u32 @!p1 s16, $0xD;
	s14 =	ssub.s32 @!p1 s14, s15  }
0x24: {  	s15 =	sand.u32 @!p1 $0x2000, s16;
	s16 =	sadd.s32 @!p1 s6, s17;
	s14 =	sshll.u32 @!p1 s14, $0x4  }
0x25: {  	s17 =	simm.s32 @!p1 $0x1C00;
	s14 =	sadd.s32 @!p1 s14, s16;
	s16 =	simm.s32 @!p1 $0x40  }
0x26: {  	[tilespmem:s15], [sflag:$0x1] =	stream.strided.gather @!p1 [hbm4b:s14+s16], $0x2000, s17, s16, $0x38;
	[tilespmem:$0x8080] =	vst v63  }
0x27: {  	p1 =	sge.u32 s31, s5  }
.Ltmp2:
0x28: {  	_ = 	snop;
	(pc) =	sbr.rel @p1 .LBB1_5-.Ltmp2, $1  }
0x29: {  	_ =	sdelay $0x3  }
0x2a: {  	s14 =	simm.s32 $0x1  }
0x2b: {  	_ =	swait.ge [sflag:s4], $0x2000;
	s14 =	simm.s32 @!p0 $0x0  }
0x2c: {  	[sflag:s4] =	ssyncset.done $0x0;
	s15 =	sshll.u32 s14, $0xD  }
0x2d: {  	[sflag:s4] =	ssyncadd.s32 $0xFFFFE000;
	s18 =	sor.u32 $0x20, s15  }
0x2e: {  	s14 =	smul.u32 $0x8100, s14;
	v3 =	vld [tilespmem:s18+$0x10]  }
0x2f: {  	s30 =	sand.u32 $0x1, s11;
	v2 =	vld [tilespmem:s18+$0xFFFFFFF0]  }
0x30: {  	s15 =	smul.u32 $0x8100, s30;
	s14 =	sshrl.u32 s14, $0x2;
	v0 =	vld [tilespmem:s18+$0x0]  }
0x31: {  	v1 =	vld [tilespmem:s18+$0xFFFFFFE0];
	s16 =	sor.u32 $0x4000, s14  }
0x32: {  	s31 =	sshrl.u32 s15, $0x2;
	s15 =	sadd.s32 $0x0, s16  }
0x33: {  	s17 =	simm.s32 $0x4;
	s18 =	sadd.s32 $0x40, s18;
	s14 =	sor.u32 $0x4000, s31;
	[tilespmem:s15+$0x1830 ss:$0x81] =	vst.msk $0xffff, v3  }
.LBB1_3:
0x34: {  	v3 =	vld [tilespmem:s18+$0x10];
	p1 =	sne.s32 s17, $0x1FC;
	[tilespmem:s15+$0x810 ss:$0x81] =	vst.msk $0xffff, v2;
	s19 =	smov.u32 s17;
	s17 =	sadd.s32 $0x4, s17  }
.Ltmp3:
0x35: {  	v2 =	vld [tilespmem:s18+$0xFFFFFFF0];
	[tilespmem:s15+$0x1020 ss:$0x81] =	vst.msk $0xffff, v0;
	(pc) =	sbr.rel @p1 .LBB1_3-.Ltmp3, $4  }
0x36: {  	v0 =	vld [tilespmem:s18+$0x0];
	[tilespmem:s15+$0x0 ss:$0x81] =	vst.msk $0xffff, v1  }
0x37: {  	s15 =	sshra.s32 s19, $0x2;
	v1 =	vld [tilespmem:s18+$0xFFFFFFE0]  }
0x38: {  	s15 =	sadd.s32 s15, s16  }
0x39: {  	s18 =	sadd.s32 $0x40, s18;
	[tilespmem:s15+$0x1830 ss:$0x81] =	vst.msk $0xffff, v3  }
.Ltmp4:
0x3a: {  	_ = 	snop;
	(pc) =	sbr.rel .LBB1_4-.Ltmp4, $1  }
0x3b: {  	_ =	sdelay $0x3  }
.LBB1_6:
0x3c: {  	_ =	sfence.sel $0x180000  }
0x3d: {  	s2 =	simm.s32 $0x1;
	[bflag:$0x0] =	sbarrier.arrive $0xFFFF  }
0x3e: {  	s31 =	simm.s32 $0x2;
	[sflag:s2] =	ssyncpa.u1 $0x1  }
0x3f: {  	[sflag:s31] =	ssyncpa.u1 $0x1  }
0x40: {  	p0 =	sne.s32 s0, $0x0;
	_ =	strace $0x9000004A  }
0x41: {  	s0 =	sadd.s32 @!p0 $0x100000, s1;
	[bflag:$0x2] =	sbarrier.arrive $0xFFFF  }
0x42: {  	[sflag:s0] =	ssyncadd.tile.s32 @!p0 $0x1;
	_ =	shalt  }
.Lfunc_end1:
_tile_overlayer_lowered:
.L_overlay_start_2:
0x43: {  	(tag) =	ssettag $0x2  }
0x44: {  	s0 =	rddreg [dreg:$0x0];
	s2 =	stileid.u32  }
0x45: {  	s1 =	rddreg [dreg:$0x1];
	p0 =	sne.s32 s2, $0x0  }
0x46: {  	s3 =	rddreg [dreg:$0x2];
	[bflag:$0x3] =	sbarrier.arrive $0xFFFF;
	s2 =	simm.s32 @!p0 $0x1C01  }
0x47: {  	[timem:s3], [sflag:s2] =	dma.local @!p0 [hbm:s0], s1  }
0x48: {  	s0 =	simm.s32 @!p0 $0x1  }
0x49: {  	_ =	swait.ge @!p0 [sflag:s0], s1  }
0x4a: {  	s1 =	ssub.s32 @!p0 $0x0, s1;
	[sflag:s0] =	ssyncset.done @!p0 $0x0  }
0x4b: {  	[sflag:s0] =	ssyncadd.s32 @!p0 s1  }
0x4c: {  	[bflag:$0x3] =	sbarrier.arrive $0xFFFF  }
0x4d: {  	_ =	shalt  }

</sc_bundles>
